<compile_context>
chip_gen: v7x
topology: tpu7x:2x2x1
jax: 0.10.2.dev20260603
libtpu: 0.0.44.dev20260713+nightly
codegen_flags: <defaults>
</compile_context>

<pallas_src>
import functools
import jax
import jax.numpy as jnp
from jax import lax
from jax.experimental import pallas as pl
from jax.experimental.pallas import tpu as pltpu
from jax.experimental.pallas import tpu_sc as plsc

ALPHA = 0.1
KSTEPS = 10

NC = 2
NS = 16
CH = 128
NB = 4


def _pre_body(x_ref, w_ref, b_ref, o_ref):
    h = jnp.dot(x_ref[...], w_ref[...], preferred_element_type=jnp.float32)
    o_ref[...] = jnp.maximum(h + b_ref[...], 0.0)


def _prep_body(d_ref, invb_ref, dinv_ref, sq_ref):
    nb = d_ref.shape[0] // 2
    deg = d_ref[:nb] + d_ref[nb:] + 1.0
    dinv = lax.rsqrt(deg)
    invb_ref[...] = (1.0 - ALPHA) / deg
    dinv_ref[...] = dinv
    sq_ref[...] = deg * dinv


def _scale_body(h_ref, dinv_ref, u_ref, u0a_ref):
    u = h_ref[...] * dinv_ref[...]
    u_ref[...] = u
    u0a_ref[...] = ALPHA * u


def _post_body(u_ref, sq_ref, o_ref):
    z = u_ref[...] * sq_ref[...]
    m = jnp.max(z, axis=1, keepdims=True)
    e = jnp.exp(z - m)
    s = jnp.sum(e, axis=1, keepdims=True)
    o_ref[...] = (z - m) - jnp.log(s)


def _make_deg_kernel(n_pad, cpt):
    mesh = plsc.VectorSubcoreMesh(core_axis_name="c", subcore_axis_name="s", num_cores=NC, num_subcores=NS)
    rows_per_tile = n_pad // NS

    @functools.partial(
        pl.kernel,
        out_type=jax.ShapeDtypeStruct((NC, n_pad), jnp.float32),
        mesh=mesh,
        scratch_types=[
            pltpu.VMEM((cpt, CH), jnp.int32),
            pltpu.VMEM((CH,), jnp.float32),
            pltpu.VMEM_SHARED((n_pad,), jnp.float32),
        ],
    )
    def deg_kernel(dst_hbm, ones_hbm, zeros_hbm, out_hbm, didx, ones_v, acc):
        c = lax.axis_index("c")
        s = lax.axis_index("s")
        wid = c * NS + s
        pltpu.sync_copy(dst_hbm.at[pl.ds(wid * cpt, cpt)], didx)
        pltpu.sync_copy(ones_hbm, ones_v)
        r0 = s * rows_per_tile
        pltpu.sync_copy(zeros_hbm.at[pl.ds(r0, rows_per_tile)],
                        acc.at[pl.ds(r0, rows_per_tile)])
        plsc.subcore_barrier()

        def chunk(j, carry):
            pltpu.sync_copy(ones_v, acc.at[didx.at[j]], add=True)
            return carry

        lax.fori_loop(0, cpt, chunk, 0)
        plsc.subcore_barrier()
        pltpu.sync_copy(acc.at[pl.ds(r0, rows_per_tile)],
                        out_hbm.at[c, pl.ds(r0, rows_per_tile)])

    return deg_kernel


def _make_fused_kernel(n_pad, c_dim, cpt):
    mesh = plsc.VectorSubcoreMesh(core_axis_name="c", subcore_axis_name="s",
                                  num_cores=NC, num_subcores=NS)
    rpt = n_pad // NS
    ch = c_dim // NC
    zr = rpt // 4

    @functools.partial(
        pl.kernel,
        out_type=jax.ShapeDtypeStruct((NC, n_pad, ch), jnp.float32),
        mesh=mesh,
        scratch_types=[
            pltpu.VMEM((2, NB, CH), jnp.int32),
            pltpu.VMEM((2, NB, CH), jnp.int32),
            pltpu.VMEM((NB, CH, ch), jnp.float32),
            pltpu.VMEM((zr, ch), jnp.float32),
            pltpu.VMEM((rpt // 2, ch), jnp.float32),
            pltpu.VMEM((rpt, ch), jnp.float32),
            pltpu.VMEM((rpt, 16), jnp.float32),
            pltpu.VMEM((rpt, ch), jnp.float32),
            pltpu.SemaphoreType.DMA,
            pltpu.SemaphoreType.DMA,
            pltpu.SemaphoreType.DMA,
            pltpu.SemaphoreType.DMA,
            pltpu.VMEM_SHARED((n_pad, ch), jnp.float32),
            pltpu.VMEM_SHARED((n_pad, ch), jnp.float32),
        ],
        compiler_params=pltpu.CompilerParams(use_tc_tiling_on_sc=False),
    )
    def fused_kernel(u0a_hbm, invb16_hbm, src_hbm, dst_hbm,
                     u_out,
                     sidx, didx, rowbuf, zbuf, pbuf, ubuf, invb16,
                     u0ar, gsem, ssem, isem, jsem, agg, ush):
        c = lax.axis_index("c")
        s = lax.axis_index("s")
        r0 = s * rpt
        ngroups = cpt * 2 // NB
        gbase = s * (cpt * 2)

        pltpu.sync_copy(invb16_hbm.at[pl.ds(r0, rpt)], invb16)
        pltpu.sync_copy(
            u0a_hbm.at[pl.ds(r0, rpt), pl.ds(c * ch, ch)], u0ar)
        inv_alpha = jnp.full((16,), 1.0 / ALPHA, jnp.float32)

        def u0row(i, carry):
            for kq in range(ch // 16):
                ubuf[i, pl.ds(kq * 16, 16)] = (
                    u0ar[i, pl.ds(kq * 16, 16)] * inv_alpha)
            return carry

        lax.fori_loop(0, rpt, u0row, 0)
        pltpu.sync_copy(ubuf, ush.at[pl.ds(r0, rpt)])

        z16 = jnp.zeros((16,), jnp.float32)

        def zrow(i, carry):
            for k in range(ch // 16):
                zbuf[i, pl.ds(k * 16, 16)] = z16
            return carry

        lax.fori_loop(0, zr, zrow, 0)
        for q in range(4):
            pltpu.sync_copy(zbuf, agg.at[pl.ds(r0 + q * zr, zr)])
        plsc.subcore_barrier()

        def step(_k, carry):
            pltpu.async_copy(src_hbm.at[pl.ds(gbase, NB)], sidx.at[0], isem)
            pltpu.async_copy(dst_hbm.at[pl.ds(gbase, NB)], didx.at[0], isem)

            def process(slot):
                gd = [pltpu.async_copy(ush.at[sidx.at[slot, b]],
                                       rowbuf.at[b], gsem)
                      for b in range(NB)]
                sd = []
                for b in range(NB):
                    gd[b].wait()
                    sd.append(pltpu.async_copy(rowbuf.at[b],
                                               agg.at[didx.at[slot, b]],
                                               ssem, add=True))
                for b in range(NB):
                    sd[b].wait()

            def drain(slot, sem):
                pltpu.make_async_copy(src_hbm.at[pl.ds(gbase, NB)],
                                      sidx.at[slot], sem).wait()
                pltpu.make_async_copy(dst_hbm.at[pl.ds(gbase, NB)],
                                      didx.at[slot], sem).wait()

            def pair(h, carry2):
                g1 = h * 2 + 1
                pltpu.async_copy(src_hbm.at[pl.ds(gbase + g1 * NB, NB)],
                                 sidx.at[1], jsem)
                pltpu.async_copy(dst_hbm.at[pl.ds(gbase + g1 * NB, NB)],
                                 didx.at[1], jsem)
                drain(0, isem)
                process(0)

                @pl.when(h + 1 < ngroups // 2)
                def _():
                    g2 = h * 2 + 2
                    pltpu.async_copy(src_hbm.at[pl.ds(gbase + g2 * NB, NB)],
                                     sidx.at[0], isem)
                    pltpu.async_copy(dst_hbm.at[pl.ds(gbase + g2 * NB, NB)],
                                     didx.at[0], isem)

                drain(1, jsem)
                process(1)
                return carry2

            lax.fori_loop(0, ngroups // 2, pair, 0)
            plsc.subcore_barrier()
            hrpt = rpt // 2
            for hp in range(2):
                pltpu.sync_copy(agg.at[pl.ds(r0 + hp * hrpt, hrpt)], pbuf)
                for q in range(2):
                    pltpu.sync_copy(
                        zbuf, agg.at[pl.ds(r0 + hp * hrpt + q * zr, zr)])

                def urow(i, carry3):
                    ii = hp * hrpt + i
                    iv = invb16[ii, pl.ds(0, 16)]
                    for kk in range(ch // 16):
                        v = (pbuf[i, pl.ds(kk * 16, 16)]
                             + ubuf[ii, pl.ds(kk * 16, 16)])
                        ubuf[ii, pl.ds(kk * 16, 16)] = (
                            iv * v + u0ar[ii, pl.ds(kk * 16, 16)])
                    return carry3

                lax.fori_loop(0, hrpt, urow, 0)
            pltpu.sync_copy(ubuf, ush.at[pl.ds(r0, rpt)])
            plsc.subcore_barrier()
            return carry

        lax.fori_loop(0, KSTEPS, step, 0)
        pltpu.sync_copy(ubuf, u_out.at[c, pl.ds(r0, rpt)])

    return fused_kernel


def kernel(x, edge_index, W, b):
    n, d = x.shape
    c_dim = W.shape[1]
    e = edge_index.shape[1]

    blk = 1024
    n_pad = ((n + blk - 1) // blk) * blk
    ept = -(-e // (NC * NS))
    cpt = -(-ept // CH)
    q = max(8, NB)
    cpt = ((cpt + q - 1) // q) * q
    e_pad = NC * NS * cpt * CH

    src = edge_index[0]
    dst = edge_index[1]
    pad_e = e_pad - e
    src_p = jnp.concatenate(
        [src, jnp.zeros((pad_e,), dtype=src.dtype)]).reshape(-1, CH)
    dst_p = jnp.concatenate(
        [dst, jnp.full((pad_e,), n_pad - 1, dtype=dst.dtype)]).reshape(-1, CH)

    x_p = jnp.zeros((n_pad, d), x.dtype).at[:n].set(x)
    zeros1d = jnp.zeros((n_pad,), jnp.float32)
    ones_ch = jnp.ones((CH,), jnp.float32)

    grid = n_pad // blk

    h0 = pl.pallas_call(
        _pre_body,
        grid=(grid,),
        in_specs=[
            pl.BlockSpec((blk, d), lambda i: (i, 0)),
            pl.BlockSpec((d, c_dim), lambda i: (0, 0)),
            pl.BlockSpec((1, c_dim), lambda i: (0, 0)),
        ],
        out_specs=pl.BlockSpec((blk, c_dim), lambda i: (i, 0)),
        out_shape=jax.ShapeDtypeStruct((n_pad, c_dim), jnp.float32),
    )(x_p, W, b.reshape(1, c_dim))

    deg_kernel = _make_deg_kernel(n_pad, cpt)
    degs = deg_kernel(dst_p, ones_ch, zeros1d)

    nb = n_pad // 128
    degs2 = degs.reshape(2 * nb, 128)
    invb80, dinv80, sq80 = pl.pallas_call(
        _prep_body,
        out_shape=[jax.ShapeDtypeStruct((nb, 128), jnp.float32)] * 3,
    )(degs2)

    dinv_b = jnp.broadcast_to(dinv80.reshape(n_pad, 1), (n_pad, c_dim))
    invb16 = jnp.broadcast_to(invb80.reshape(n_pad, 1), (n_pad, 16))
    sq_b = jnp.broadcast_to(sq80.reshape(n_pad, 1), (n_pad, c_dim))

    u, u0a = pl.pallas_call(
        _scale_body,
        grid=(grid,),
        in_specs=[pl.BlockSpec((blk, c_dim), lambda i: (i, 0))] * 2,
        out_specs=[pl.BlockSpec((blk, c_dim), lambda i: (i, 0))] * 2,
        out_shape=[jax.ShapeDtypeStruct((n_pad, c_dim), jnp.float32)] * 2,
    )(h0, dinv_b)

    fused_kernel = _make_fused_kernel(n_pad, c_dim, cpt)
    u_out = fused_kernel(u0a, invb16, src_p, dst_p)
    u = jnp.concatenate([u_out[0], u_out[1]], axis=1)

    out = pl.pallas_call(
        _post_body,
        grid=(grid,),
        in_specs=[pl.BlockSpec((blk, c_dim), lambda i: (i, 0))] * 2,
        out_specs=pl.BlockSpec((blk, c_dim), lambda i: (i, 0)),
        out_shape=jax.ShapeDtypeStruct((n_pad, c_dim), jnp.float32),
    )(u, sq_b)

    return out[:n]

# --- scband reference (transcript-rebuilt; emitter-appended) ---
"""Pipeline reference for scband-appnp-41480794145014 (READ-ONLY COPY).

The authoritative reference and input builder live on the scoring server;
editing this copy changes nothing except your own understanding.
"""

import jax, jax.numpy as jnp
import numpy as np

N = 10000
E = 320000
D = 128
C = 64
K = 10
ALPHA = 0.1


def setup_inputs(seed: int = 0) -> dict:
    key = jax.random.key(seed)
    k1, k2, k3 = jax.random.split(key, 3)
    x = jax.random.normal(k1, (N, D), dtype=jnp.float32)
    edge_index = jax.random.randint(k2, (2, E), 0, N)
    W = jax.random.normal(k3, (D, C), dtype=jnp.float32) * (1.0 / np.sqrt(D))
    b = jnp.zeros((C,), dtype=jnp.float32)
    return {"x": x, "edge_index": edge_index, "W": W, "b": b}


def reference(x, edge_index, W, b):
    # eval mode: dropout is identity
    n = x.shape[0]
    h = jnp.maximum(x @ W + b, 0.0)  # lin + relu
    # APPNP propagation with GCN normalization + self loops
    loop = jnp.arange(n, dtype=edge_index.dtype)
    src = jnp.concatenate([edge_index[0], loop])
    dst = jnp.concatenate([edge_index[1], loop])
    deg = jnp.zeros((n,), dtype=h.dtype).at[dst].add(1.0)
    dinv = jnp.where(deg > 0, jax.lax.rsqrt(jnp.maximum(deg, 1e-12)), 0.0)
    norm = (dinv[src] * dinv[dst])[:, None]
    h0 = h
    for _ in range(K):
        msg = h[src] * norm           # gather over edges
        agg = jax.ops.segment_sum(msg, dst, num_segments=n)  # scatter-add
        h = (1.0 - ALPHA) * agg + ALPHA * h0
    return jax.nn.log_softmax(h, axis=1)

if __name__ == "__main__":
    import jax
    _d = setup_inputs()
    print(jax.jit(kernel)(*tuple(_d.values())))

</pallas_src>

<mosaic_0001>
#map = affine_map<(d0, d1) -> (0, 0)>
#map1 = affine_map<(d0, d1) -> (0, 0, 0)>
module attributes {stable_mosaic.version = 14 : i64} {
  func.func @fused_kernel(%arg0: i32, %arg1: i32, %arg2: memref<10240x64xf32, #tpu.memory_space<hbm>>, %arg3: memref<10240x16xf32, #tpu.memory_space<hbm>>, %arg4: memref<2560x128xi32, #tpu.memory_space<hbm>>, %arg5: memref<2560x128xi32, #tpu.memory_space<hbm>>, %arg6: memref<2x10240x32xf32, #tpu.memory_space<hbm>>, %arg7: memref<2x4x128xi32, #tpu.memory_space<vmem>>, %arg8: memref<2x4x128xi32, #tpu.memory_space<vmem>>, %arg9: memref<4x128x32xf32, #tpu.memory_space<vmem>>, %arg10: memref<160x32xf32, #tpu.memory_space<vmem>>, %arg11: memref<320x32xf32, #tpu.memory_space<vmem>>, %arg12: memref<640x32xf32, #tpu.memory_space<vmem>>, %arg13: memref<640x16xf32, #tpu.memory_space<vmem>>, %arg14: memref<640x32xf32, #tpu.memory_space<vmem>>, %arg15: memref<!tpu.dma_semaphore, #tpu.memory_space<semaphore_mem>>, %arg16: memref<!tpu.dma_semaphore, #tpu.memory_space<semaphore_mem>>, %arg17: memref<!tpu.dma_semaphore, #tpu.memory_space<semaphore_mem>>, %arg18: memref<!tpu.dma_semaphore, #tpu.memory_space<semaphore_mem>>, %arg19: memref<10240x32xf32, #tpu.memory_space<vmem_shared>>, %arg20: memref<10240x32xf32, #tpu.memory_space<vmem_shared>>) attributes {dimension_semantics = [#tpu.dimension_semantics<core_parallel>, #tpu.dimension_semantics<subcore_parallel>], iteration_bounds = array<i64: 2, 16>, scalar_prefetch = 0 : i64, scratch_operands = 14 : i64, tpu.core_type = #tpu.core_type<sc_vector_subcore>, window_params = [{transform_indices = #map}, {transform_indices = #map}, {transform_indices = #map}, {transform_indices = #map}, {transform_indices = #map1}]} {
    %mul3A = arith.constant 640 : i32
    %mul3A_0 = arith.muli %arg1, %mul3A : i32
    %mul3A_1 = arith.constant 160 : i32
    %mul3A_2 = arith.muli %arg1, %mul3A_1 : i32
    "tpu.region"() ({
      %run_scoped3A = tpu.sem_alloc : memref<!tpu.dma_semaphore, #tpu.memory_space<semaphore_mem>>
      %dma_start3A = arith.constant 0 : i32
      %dma_start3A_32 = tpu.memref_slice %arg3[%mul3A_0, %dma_start3A] : memref<10240x16xf32, #tpu.memory_space<hbm>> -> memref<640x16xf32, #tpu.memory_space<hbm>>
      %dma_start3A_33 = arith.constant 0 : i32
      %dma_start3A_34 = tpu.memref_slice %arg3[%mul3A_0, %dma_start3A_33] : memref<10240x16xf32, #tpu.memory_space<hbm>> -> memref<640x16xf32, #tpu.memory_space<hbm>>
      tpu.enqueue_dma source(%dma_start3A_34 : memref<640x16xf32, #tpu.memory_space<hbm>>) target(%arg13 : memref<640x16xf32, #tpu.memory_space<vmem>>) target_semaphore(%run_scoped3A : memref<!tpu.dma_semaphore, #tpu.memory_space<semaphore_mem>>)
      %dma_wait3A = arith.constant 0 : i32
      %dma_wait3A_35 = tpu.memref_slice %arg3[%mul3A_0, %dma_wait3A] : memref<10240x16xf32, #tpu.memory_space<hbm>> -> memref<640x16xf32, #tpu.memory_space<hbm>>
      %dma_wait3A_36 = arith.constant 0 : i32
      %dma_wait3A_37 = tpu.memref_slice %arg3[%mul3A_0, %dma_wait3A_36] : memref<10240x16xf32, #tpu.memory_space<hbm>> -> memref<640x16xf32, #tpu.memory_space<hbm>>
      tpu.wait_dma2 semaphore(%run_scoped3A : memref<!tpu.dma_semaphore, #tpu.memory_space<semaphore_mem>>) src(%dma_wait3A_37 : memref<640x16xf32, #tpu.memory_space<hbm>>) dst(%arg13 : memref<640x16xf32, #tpu.memory_space<vmem>>)
      tpu.yield
    }) : () -> ()
    %mul3A_3 = arith.constant 32 : i32
    %mul3A_4 = arith.muli %arg0, %mul3A_3 : i32
    "tpu.region"() ({
      %run_scoped3A = tpu.sem_alloc : memref<!tpu.dma_semaphore, #tpu.memory_space<semaphore_mem>>
      %dma_start3A = tpu.memref_slice %arg2[%mul3A_0, %mul3A_4] : memref<10240x64xf32, #tpu.memory_space<hbm>> -> memref<640x32xf32, #tpu.memory_space<hbm>>
      %dma_start3A_32 = tpu.memref_slice %arg2[%mul3A_0, %mul3A_4] : memref<10240x64xf32, #tpu.memory_space<hbm>> -> memref<640x32xf32, #tpu.memory_space<hbm>>
      tpu.enqueue_dma source(%dma_start3A_32 : memref<640x32xf32, #tpu.memory_space<hbm>>) target(%arg14 : memref<640x32xf32, #tpu.memory_space<vmem>>) target_semaphore(%run_scoped3A : memref<!tpu.dma_semaphore, #tpu.memory_space<semaphore_mem>>)
      %dma_wait3A = tpu.memref_slice %arg2[%mul3A_0, %mul3A_4] : memref<10240x64xf32, #tpu.memory_space<hbm>> -> memref<640x32xf32, #tpu.memory_space<hbm>>
      %dma_wait3A_33 = tpu.memref_slice %arg2[%mul3A_0, %mul3A_4] : memref<10240x64xf32, #tpu.memory_space<hbm>> -> memref<640x32xf32, #tpu.memory_space<hbm>>
      tpu.wait_dma2 semaphore(%run_scoped3A : memref<!tpu.dma_semaphore, #tpu.memory_space<semaphore_mem>>) src(%dma_wait3A_33 : memref<640x32xf32, #tpu.memory_space<hbm>>) dst(%arg14 : memref<640x32xf32, #tpu.memory_space<vmem>>)
      tpu.yield
    }) : () -> ()
    %broadcast_in_dim3A = arith.constant 1.000000e+01 : f32
    %broadcast_in_dim3A_5 = vector.broadcast %broadcast_in_dim3A : f32 to vector<16xf32>
    %scan3A = arith.constant 0 : i32
    %scan3A_6 = arith.constant 0 : i32
    %scan3A_7 = arith.constant 640 : i32
    %scan3A_8 = arith.addi %scan3A_6, %scan3A_7 : i32
    %scan3A_9 = arith.constant 1 : i32
    scf.for %scan3A_32 = %scan3A_6 to %scan3A_8 step %scan3A_9  : i32 {
      %get3A = arith.index_cast %scan3A_32 : i32 to index
      %get3A_33 = arith.constant 0 : index
      %get3A_34 = tpu.vector_load %arg14[%get3A, %get3A_33] {strides = array<i32>} : memref<640x32xf32, #tpu.memory_space<vmem>>, vector<1x16xf32>,
      %get3A_35 = vector.shape_cast %get3A_34 : vector<1x16xf32> to vector<16xf32>
      %mul3A_36 = arith.mulf %get3A_35, %broadcast_in_dim3A_5 : vector<16xf32>
      %swap3A = arith.index_cast %scan3A_32 : i32 to index
      %swap3A_37 = arith.constant 0 : index
      %swap3A_38 = tpu.vector_load %arg12[%swap3A, %swap3A_37] {strides = array<i32>} : memref<640x32xf32, #tpu.memory_space<vmem>>, vector<1x16xf32>,
      %swap3A_39 = vector.shape_cast %swap3A_38 : vector<1x16xf32> to vector<16xf32>
      %swap3A_40 = vector.shape_cast %mul3A_36 : vector<16xf32> to vector<1x16xf32>
      tpu.vector_store %arg12[%swap3A, %swap3A_37], %swap3A_40 {strides = array<i32>} : memref<640x32xf32, #tpu.memory_space<vmem>>, vector<1x16xf32>,
      %get3A_41 = arith.index_cast %scan3A_32 : i32 to index
      %get3A_42 = arith.constant 16 : index
      %get3A_43 = tpu.vector_load %arg14[%get3A_41, %get3A_42] {strides = array<i32>} : memref<640x32xf32, #tpu.memory_space<vmem>>, vector<1x16xf32>,
      %get3A_44 = vector.shape_cast %get3A_43 : vector<1x16xf32> to vector<16xf32>
      %mul3A_45 = arith.mulf %get3A_44, %broadcast_in_dim3A_5 : vector<16xf32>
      %swap3A_46 = arith.index_cast %scan3A_32 : i32 to index
      %swap3A_47 = arith.constant 16 : index
      %swap3A_48 = tpu.vector_load %arg12[%swap3A_46, %swap3A_47] {strides = array<i32>} : memref<640x32xf32, #tpu.memory_space<vmem>>, vector<1x16xf32>,
      %swap3A_49 = vector.shape_cast %swap3A_48 : vector<1x16xf32> to vector<16xf32>
      %swap3A_50 = vector.shape_cast %mul3A_45 : vector<16xf32> to vector<1x16xf32>
      tpu.vector_store %arg12[%swap3A_46, %swap3A_47], %swap3A_50 {strides = array<i32>} : memref<640x32xf32, #tpu.memory_space<vmem>>, vector<1x16xf32>,
    }
    %scan3A_10 = arith.constant 640 : i32
    "tpu.region"() ({
      %run_scoped3A = tpu.sem_alloc : memref<!tpu.dma_semaphore, #tpu.memory_space<semaphore_mem>>
      %dma_start3A = arith.constant 0 : i32
      %dma_start3A_32 = tpu.memref_slice %arg20[%mul3A_0, %dma_start3A] : memref<10240x32xf32, #tpu.memory_space<vmem_shared>> -> memref<640x32xf32, #tpu.memory_space<vmem_shared>>
      %dma_start3A_33 = arith.constant 0 : i32
      %dma_start3A_34 = tpu.memref_slice %arg20[%mul3A_0, %dma_start3A_33] : memref<10240x32xf32, #tpu.memory_space<vmem_shared>> -> memref<640x32xf32, #tpu.memory_space<vmem_shared>>
      tpu.enqueue_dma source(%arg12 : memref<640x32xf32, #tpu.memory_space<vmem>>) target(%dma_start3A_34 : memref<640x32xf32, #tpu.memory_space<vmem_shared>>) target_semaphore(%run_scoped3A : memref<!tpu.dma_semaphore, #tpu.memory_space<semaphore_mem>>)
      %dma_wait3A = arith.constant 0 : i32
      %dma_wait3A_35 = tpu.memref_slice %arg20[%mul3A_0, %dma_wait3A] : memref<10240x32xf32, #tpu.memory_space<vmem_shared>> -> memref<640x32xf32, #tpu.memory_space<vmem_shared>>
      %dma_wait3A_36 = arith.constant 0 : i32
      %dma_wait3A_37 = tpu.memref_slice %arg20[%mul3A_0, %dma_wait3A_36] : memref<10240x32xf32, #tpu.memory_space<vmem_shared>> -> memref<640x32xf32, #tpu.memory_space<vmem_shared>>
      tpu.wait_dma2 semaphore(%run_scoped3A : memref<!tpu.dma_semaphore, #tpu.memory_space<semaphore_mem>>) src(%arg12 : memref<640x32xf32, #tpu.memory_space<vmem>>) dst(%dma_wait3A_37 : memref<640x32xf32, #tpu.memory_space<vmem_shared>>)
      tpu.yield
    }) : () -> ()
    %broadcast_in_dim3A_11 = arith.constant 0.000000e+00 : f32
    %broadcast_in_dim3A_12 = vector.broadcast %broadcast_in_dim3A_11 : f32 to vector<16xf32>
    %scan3A_13 = arith.constant 0 : i32
    %scan3A_14 = arith.constant 0 : i32
    %scan3A_15 = arith.constant 160 : i32
    %scan3A_16 = arith.addi %scan3A_14, %scan3A_15 : i32
    %scan3A_17 = arith.constant 1 : i32
    scf.for %scan3A_32 = %scan3A_14 to %scan3A_16 step %scan3A_17  : i32 {
      %swap3A = arith.index_cast %scan3A_32 : i32 to index
      %swap3A_33 = arith.constant 0 : index
      %swap3A_34 = tpu.vector_load %arg10[%swap3A, %swap3A_33] {strides = array<i32>} : memref<160x32xf32, #tpu.memory_space<vmem>>, vector<1x16xf32>,
      %swap3A_35 = vector.shape_cast %swap3A_34 : vector<1x16xf32> to vector<16xf32>
      %swap3A_36 = vector.shape_cast %broadcast_in_dim3A_12 : vector<16xf32> to vector<1x16xf32>
      tpu.vector_store %arg10[%swap3A, %swap3A_33], %swap3A_36 {strides = array<i32>} : memref<160x32xf32, #tpu.memory_space<vmem>>, vector<1x16xf32>,
      %swap3A_37 = arith.index_cast %scan3A_32 : i32 to index
      %swap3A_38 = arith.constant 16 : index
      %swap3A_39 = tpu.vector_load %arg10[%swap3A_37, %swap3A_38] {strides = array<i32>} : memref<160x32xf32, #tpu.memory_space<vmem>>, vector<1x16xf32>,
      %swap3A_40 = vector.shape_cast %swap3A_39 : vector<1x16xf32> to vector<16xf32>
      %swap3A_41 = vector.shape_cast %broadcast_in_dim3A_12 : vector<16xf32> to vector<1x16xf32>
      tpu.vector_store %arg10[%swap3A_37, %swap3A_38], %swap3A_41 {strides = array<i32>} : memref<160x32xf32, #tpu.memory_space<vmem>>, vector<1x16xf32>,
    }
    %scan3A_18 = arith.constant 160 : i32
    %add3A = arith.constant 0 : i32
    %add3A_19 = arith.addi %mul3A_0, %add3A : i32
    "tpu.region"() ({
      %run_scoped3A = tpu.sem_alloc : memref<!tpu.dma_semaphore, #tpu.memory_space<semaphore_mem>>
      %dma_start3A = arith.constant 0 : i32
      %dma_start3A_32 = tpu.memref_slice %arg19[%add3A_19, %dma_start3A] : memref<10240x32xf32, #tpu.memory_space<vmem_shared>> -> memref<160x32xf32, #tpu.memory_space<vmem_shared>>
      %dma_start3A_33 = arith.constant 0 : i32
      %dma_start3A_34 = tpu.memref_slice %arg19[%add3A_19, %dma_start3A_33] : memref<10240x32xf32, #tpu.memory_space<vmem_shared>> -> memref<160x32xf32, #tpu.memory_space<vmem_shared>>
      tpu.enqueue_dma source(%arg10 : memref<160x32xf32, #tpu.memory_space<vmem>>) target(%dma_start3A_34 : memref<160x32xf32, #tpu.memory_space<vmem_shared>>) target_semaphore(%run_scoped3A : memref<!tpu.dma_semaphore, #tpu.memory_space<semaphore_mem>>)
      %dma_wait3A = arith.constant 0 : i32
      %dma_wait3A_35 = tpu.memref_slice %arg19[%add3A_19, %dma_wait3A] : memref<10240x32xf32, #tpu.memory_space<vmem_shared>> -> memref<160x32xf32, #tpu.memory_space<vmem_shared>>
      %dma_wait3A_36 = arith.constant 0 : i32
      %dma_wait3A_37 = tpu.memref_slice %arg19[%add3A_19, %dma_wait3A_36] : memref<10240x32xf32, #tpu.memory_space<vmem_shared>> -> memref<160x32xf32, #tpu.memory_space<vmem_shared>>
      tpu.wait_dma2 semaphore(%run_scoped3A : memref<!tpu.dma_semaphore, #tpu.memory_space<semaphore_mem>>) src(%arg10 : memref<160x32xf32, #tpu.memory_space<vmem>>) dst(%dma_wait3A_37 : memref<160x32xf32, #tpu.memory_space<vmem_shared>>)
      tpu.yield
    }) : () -> ()
    %add3A_20 = arith.constant 160 : i32
    %add3A_21 = arith.addi %mul3A_0, %add3A_20 : i32
    "tpu.region"() ({
      %run_scoped3A = tpu.sem_alloc : memref<!tpu.dma_semaphore, #tpu.memory_space<semaphore_mem>>
      %dma_start3A = arith.constant 0 : i32
      %dma_start3A_32 = tpu.memref_slice %arg19[%add3A_21, %dma_start3A] : memref<10240x32xf32, #tpu.memory_space<vmem_shared>> -> memref<160x32xf32, #tpu.memory_space<vmem_shared>>
      %dma_start3A_33 = arith.constant 0 : i32
      %dma_start3A_34 = tpu.memref_slice %arg19[%add3A_21, %dma_start3A_33] : memref<10240x32xf32, #tpu.memory_space<vmem_shared>> -> memref<160x32xf32, #tpu.memory_space<vmem_shared>>
      tpu.enqueue_dma source(%arg10 : memref<160x32xf32, #tpu.memory_space<vmem>>) target(%dma_start3A_34 : memref<160x32xf32, #tpu.memory_space<vmem_shared>>) target_semaphore(%run_scoped3A : memref<!tpu.dma_semaphore, #tpu.memory_space<semaphore_mem>>)
      %dma_wait3A = arith.constant 0 : i32
      %dma_wait3A_35 = tpu.memref_slice %arg19[%add3A_21, %dma_wait3A] : memref<10240x32xf32, #tpu.memory_space<vmem_shared>> -> memref<160x32xf32, #tpu.memory_space<vmem_shared>>
      %dma_wait3A_36 = arith.constant 0 : i32
      %dma_wait3A_37 = tpu.memref_slice %arg19[%add3A_21, %dma_wait3A_36] : memref<10240x32xf32, #tpu.memory_space<vmem_shared>> -> memref<160x32xf32, #tpu.memory_space<vmem_shared>>
      tpu.wait_dma2 semaphore(%run_scoped3A : memref<!tpu.dma_semaphore, #tpu.memory_space<semaphore_mem>>) src(%arg10 : memref<160x32xf32, #tpu.memory_space<vmem>>) dst(%dma_wait3A_37 : memref<160x32xf32, #tpu.memory_space<vmem_shared>>)
      tpu.yield
    }) : () -> ()
    %add3A_22 = arith.constant 320 : i32
    %add3A_23 = arith.addi %mul3A_0, %add3A_22 : i32
    "tpu.region"() ({
      %run_scoped3A = tpu.sem_alloc : memref<!tpu.dma_semaphore, #tpu.memory_space<semaphore_mem>>
      %dma_start3A = arith.constant 0 : i32
      %dma_start3A_32 = tpu.memref_slice %arg19[%add3A_23, %dma_start3A] : memref<10240x32xf32, #tpu.memory_space<vmem_shared>> -> memref<160x32xf32, #tpu.memory_space<vmem_shared>>
      %dma_start3A_33 = arith.constant 0 : i32
      %dma_start3A_34 = tpu.memref_slice %arg19[%add3A_23, %dma_start3A_33] : memref<10240x32xf32, #tpu.memory_space<vmem_shared>> -> memref<160x32xf32, #tpu.memory_space<vmem_shared>>
      tpu.enqueue_dma source(%arg10 : memref<160x32xf32, #tpu.memory_space<vmem>>) target(%dma_start3A_34 : memref<160x32xf32, #tpu.memory_space<vmem_shared>>) target_semaphore(%run_scoped3A : memref<!tpu.dma_semaphore, #tpu.memory_space<semaphore_mem>>)
      %dma_wait3A = arith.constant 0 : i32
      %dma_wait3A_35 = tpu.memref_slice %arg19[%add3A_23, %dma_wait3A] : memref<10240x32xf32, #tpu.memory_space<vmem_shared>> -> memref<160x32xf32, #tpu.memory_space<vmem_shared>>
      %dma_wait3A_36 = arith.constant 0 : i32
      %dma_wait3A_37 = tpu.memref_slice %arg19[%add3A_23, %dma_wait3A_36] : memref<10240x32xf32, #tpu.memory_space<vmem_shared>> -> memref<160x32xf32, #tpu.memory_space<vmem_shared>>
      tpu.wait_dma2 semaphore(%run_scoped3A : memref<!tpu.dma_semaphore, #tpu.memory_space<semaphore_mem>>) src(%arg10 : memref<160x32xf32, #tpu.memory_space<vmem>>) dst(%dma_wait3A_37 : memref<160x32xf32, #tpu.memory_space<vmem_shared>>)
      tpu.yield
    }) : () -> ()
    %add3A_24 = arith.constant 480 : i32
    %add3A_25 = arith.addi %mul3A_0, %add3A_24 : i32
    "tpu.region"() ({
      %run_scoped3A = tpu.sem_alloc : memref<!tpu.dma_semaphore, #tpu.memory_space<semaphore_mem>>
      %dma_start3A = arith.constant 0 : i32
      %dma_start3A_32 = tpu.memref_slice %arg19[%add3A_25, %dma_start3A] : memref<10240x32xf32, #tpu.memory_space<vmem_shared>> -> memref<160x32xf32, #tpu.memory_space<vmem_shared>>
      %dma_start3A_33 = arith.constant 0 : i32
      %dma_start3A_34 = tpu.memref_slice %arg19[%add3A_25, %dma_start3A_33] : memref<10240x32xf32, #tpu.memory_space<vmem_shared>> -> memref<160x32xf32, #tpu.memory_space<vmem_shared>>
      tpu.enqueue_dma source(%arg10 : memref<160x32xf32, #tpu.memory_space<vmem>>) target(%dma_start3A_34 : memref<160x32xf32, #tpu.memory_space<vmem_shared>>) target_semaphore(%run_scoped3A : memref<!tpu.dma_semaphore, #tpu.memory_space<semaphore_mem>>)
      %dma_wait3A = arith.constant 0 : i32
      %dma_wait3A_35 = tpu.memref_slice %arg19[%add3A_25, %dma_wait3A] : memref<10240x32xf32, #tpu.memory_space<vmem_shared>> -> memref<160x32xf32, #tpu.memory_space<vmem_shared>>
      %dma_wait3A_36 = arith.constant 0 : i32
      %dma_wait3A_37 = tpu.memref_slice %arg19[%add3A_25, %dma_wait3A_36] : memref<10240x32xf32, #tpu.memory_space<vmem_shared>> -> memref<160x32xf32, #tpu.memory_space<vmem_shared>>
      tpu.wait_dma2 semaphore(%run_scoped3A : memref<!tpu.dma_semaphore, #tpu.memory_space<semaphore_mem>>) src(%arg10 : memref<160x32xf32, #tpu.memory_space<vmem>>) dst(%dma_wait3A_37 : memref<160x32xf32, #tpu.memory_space<vmem_shared>>)
      tpu.yield
    }) : () -> ()
    %barrier3A = arith.constant 0 : index
    tpu.barrier barrier_id(%barrier3A)
    %scan3A_26 = arith.constant 0 : i32
    %scan3A_27 = arith.constant 0 : i32
    %scan3A_28 = arith.constant 10 : i32
    %scan3A_29 = arith.addi %scan3A_27, %scan3A_28 : i32
    %scan3A_30 = arith.constant 1 : i32
    scf.for %scan3A_32 = %scan3A_27 to %scan3A_29 step %scan3A_30  : i32 {
      %dma_start3A = arith.constant 0 : i32
      %dma_start3A_33 = arith.constant 0 : i32
      %dma_start3A_34 = arith.constant 0 : i32
      %dma_start3A_35 = tpu.memref_slice %arg7[%dma_start3A, %dma_start3A_33, %dma_start3A_34] : memref<2x4x128xi32, #tpu.memory_space<vmem>> -> memref<1x4x128xi32, #tpu.memory_space<vmem>>
      %dma_start3A_36 = tpu.memref_squeeze %dma_start3A_35 : memref<1x4x128xi32, #tpu.memory_space<vmem>> -> memref<4x128xi32, #tpu.memory_space<vmem>>
      %dma_start3A_37 = arith.constant 0 : i32
      %dma_start3A_38 = tpu.memref_slice %arg4[%mul3A_2, %dma_start3A_37] : memref<2560x128xi32, #tpu.memory_space<hbm>> -> memref<4x128xi32, #tpu.memory_space<hbm>>
      %dma_start3A_39 = arith.constant 0 : i32
      %dma_start3A_40 = arith.constant 0 : i32
      %dma_start3A_41 = tpu.memref_slice %arg7[%dma_start3A, %dma_start3A_39, %dma_start3A_40] : memref<2x4x128xi32, #tpu.memory_space<vmem>> -> memref<1x4x128xi32, #tpu.memory_space<vmem>>
      %dma_start3A_42 = tpu.memref_squeeze %dma_start3A_41 : memref<1x4x128xi32, #tpu.memory_space<vmem>> -> memref<4x128xi32, #tpu.memory_space<vmem>>
      %dma_start3A_43 = arith.constant 0 : i32
      %dma_start3A_44 = tpu.memref_slice %arg4[%mul3A_2, %dma_start3A_43] : memref<2560x128xi32, #tpu.memory_space<hbm>> -> memref<4x128xi32, #tpu.memory_space<hbm>>
      tpu.enqueue_dma source(%dma_start3A_44 : memref<4x128xi32, #tpu.memory_space<hbm>>) target(%dma_start3A_42 : memref<4x128xi32, #tpu.memory_space<vmem>>) target_semaphore(%arg17 : memref<!tpu.dma_semaphore, #tpu.memory_space<semaphore_mem>>)
      %dma_start3A_45 = arith.constant 0 : i32
      %dma_start3A_46 = arith.constant 0 : i32
      %dma_start3A_47 = arith.constant 0 : i32
      %dma_start3A_48 = tpu.memref_slice %arg8[%dma_start3A_45, %dma_start3A_46, %dma_start3A_47] : memref<2x4x128xi32, #tpu.memory_space<vmem>> -> memref<1x4x128xi32, #tpu.memory_space<vmem>>
      %dma_start3A_49 = tpu.memref_squeeze %dma_start3A_48 : memref<1x4x128xi32, #tpu.memory_space<vmem>> -> memref<4x128xi32, #tpu.memory_space<vmem>>
      %dma_start3A_50 = arith.constant 0 : i32
      %dma_start3A_51 = tpu.memref_slice %arg5[%mul3A_2, %dma_start3A_50] : memref<2560x128xi32, #tpu.memory_space<hbm>> -> memref<4x128xi32, #tpu.memory_space<hbm>>
      %dma_start3A_52 = arith.constant 0 : i32
      %dma_start3A_53 = arith.constant 0 : i32
      %dma_start3A_54 = tpu.memref_slice %arg8[%dma_start3A_45, %dma_start3A_52, %dma_start3A_53] : memref<2x4x128xi32, #tpu.memory_space<vmem>> -> memref<1x4x128xi32, #tpu.memory_space<vmem>>
      %dma_start3A_55 = tpu.memref_squeeze %dma_start3A_54 : memref<1x4x128xi32, #tpu.memory_space<vmem>> -> memref<4x128xi32, #tpu.memory_space<vmem>>
      %dma_start3A_56 = arith.constant 0 : i32
      %dma_start3A_57 = tpu.memref_slice %arg5[%mul3A_2, %dma_start3A_56] : memref<2560x128xi32, #tpu.memory_space<hbm>> -> memref<4x128xi32, #tpu.memory_space<hbm>>
      tpu.enqueue_dma source(%dma_start3A_57 : memref<4x128xi32, #tpu.memory_space<hbm>>) target(%dma_start3A_55 : memref<4x128xi32, #tpu.memory_space<vmem>>) target_semaphore(%arg17 : memref<!tpu.dma_semaphore, #tpu.memory_space<semaphore_mem>>)
      %scan3A_58 = arith.constant 0 : i32
      %scan3A_59 = arith.constant 0 : i32
      %scan3A_60 = arith.constant 20 : i32
      %scan3A_61 = arith.addi %scan3A_59, %scan3A_60 : i32
      %scan3A_62 = arith.constant 1 : i32
      scf.for %scan3A_98 = %scan3A_59 to %scan3A_61 step %scan3A_62  : i32 {
        %mul3A_99 = arith.constant 2 : i32
        %mul3A_100 = arith.muli %scan3A_98, %mul3A_99 : i32
        %add3A_101 = arith.constant 1 : i32
        %add3A_102 = arith.addi %mul3A_100, %add3A_101 : i32
        %mul3A_103 = arith.constant 4 : i32
        %mul3A_104 = arith.muli %add3A_102, %mul3A_103 : i32
        %add3A_105 = arith.addi %mul3A_2, %mul3A_104 : i32
        %dma_start3A_106 = arith.constant 1 : i32
        %dma_start3A_107 = arith.constant 0 : i32
        %dma_start3A_108 = arith.constant 0 : i32
        %dma_start3A_109 = tpu.memref_slice %arg7[%dma_start3A_106, %dma_start3A_107, %dma_start3A_108] : memref<2x4x128xi32, #tpu.memory_space<vmem>> -> memref<1x4x128xi32, #tpu.memory_space<vmem>>
        %dma_start3A_110 = tpu.memref_squeeze %dma_start3A_109 : memref<1x4x128xi32, #tpu.memory_space<vmem>> -> memref<4x128xi32, #tpu.memory_space<vmem>>
        %dma_start3A_111 = arith.constant 0 : i32
        %dma_start3A_112 = tpu.memref_slice %arg4[%add3A_105, %dma_start3A_111] : memref<2560x128xi32, #tpu.memory_space<hbm>> -> memref<4x128xi32, #tpu.memory_space<hbm>>
        %dma_start3A_113 = arith.constant 0 : i32
        %dma_start3A_114 = arith.constant 0 : i32
        %dma_start3A_115 = tpu.memref_slice %arg7[%dma_start3A_106, %dma_start3A_113, %dma_start3A_114] : memref<2x4x128xi32, #tpu.memory_space<vmem>> -> memref<1x4x128xi32, #tpu.memory_space<vmem>>
        %dma_start3A_116 = tpu.memref_squeeze %dma_start3A_115 : memref<1x4x128xi32, #tpu.memory_space<vmem>> -> memref<4x128xi32, #tpu.memory_space<vmem>>
        %dma_start3A_117 = arith.constant 0 : i32
        %dma_start3A_118 = tpu.memref_slice %arg4[%add3A_105, %dma_start3A_117] : memref<2560x128xi32, #tpu.memory_space<hbm>> -> memref<4x128xi32, #tpu.memory_space<hbm>>
        tpu.enqueue_dma source(%dma_start3A_118 : memref<4x128xi32, #tpu.memory_space<hbm>>) target(%dma_start3A_116 : memref<4x128xi32, #tpu.memory_space<vmem>>) target_semaphore(%arg18 : memref<!tpu.dma_semaphore, #tpu.memory_space<semaphore_mem>>)
        %mul3A_119 = arith.constant 4 : i32
        %mul3A_120 = arith.muli %add3A_102, %mul3A_119 : i32
        %add3A_121 = arith.addi %mul3A_2, %mul3A_120 : i32
        %dma_start3A_122 = arith.constant 1 : i32
        %dma_start3A_123 = arith.constant 0 : i32
        %dma_start3A_124 = arith.constant 0 : i32
        %dma_start3A_125 = tpu.memref_slice %arg8[%dma_start3A_122, %dma_start3A_123, %dma_start3A_124] : memref<2x4x128xi32, #tpu.memory_space<vmem>> -> memref<1x4x128xi32, #tpu.memory_space<vmem>>
        %dma_start3A_126 = tpu.memref_squeeze %dma_start3A_125 : memref<1x4x128xi32, #tpu.memory_space<vmem>> -> memref<4x128xi32, #tpu.memory_space<vmem>>
        %dma_start3A_127 = arith.constant 0 : i32
        %dma_start3A_128 = tpu.memref_slice %arg5[%add3A_121, %dma_start3A_127] : memref<2560x128xi32, #tpu.memory_space<hbm>> -> memref<4x128xi32, #tpu.memory_space<hbm>>
        %dma_start3A_129 = arith.constant 0 : i32
        %dma_start3A_130 = arith.constant 0 : i32
        %dma_start3A_131 = tpu.memref_slice %arg8[%dma_start3A_122, %dma_start3A_129, %dma_start3A_130] : memref<2x4x128xi32, #tpu.memory_space<vmem>> -> memref<1x4x128xi32, #tpu.memory_space<vmem>>
        %dma_start3A_132 = tpu.memref_squeeze %dma_start3A_131 : memref<1x4x128xi32, #tpu.memory_space<vmem>> -> memref<4x128xi32, #tpu.memory_space<vmem>>
        %dma_start3A_133 = arith.constant 0 : i32
        %dma_start3A_134 = tpu.memref_slice %arg5[%add3A_121, %dma_start3A_133] : memref<2560x128xi32, #tpu.memory_space<hbm>> -> memref<4x128xi32, #tpu.memory_space<hbm>>
        tpu.enqueue_dma source(%dma_start3A_134 : memref<4x128xi32, #tpu.memory_space<hbm>>) target(%dma_start3A_132 : memref<4x128xi32, #tpu.memory_space<vmem>>) target_semaphore(%arg18 : memref<!tpu.dma_semaphore, #tpu.memory_space<semaphore_mem>>)
        %dma_wait3A = arith.constant 0 : i32
        %dma_wait3A_135 = arith.constant 0 : i32
        %dma_wait3A_136 = arith.constant 0 : i32
        %dma_wait3A_137 = tpu.memref_slice %arg7[%dma_wait3A, %dma_wait3A_135, %dma_wait3A_136] : memref<2x4x128xi32, #tpu.memory_space<vmem>> -> memref<1x4x128xi32, #tpu.memory_space<vmem>>
        %dma_wait3A_138 = tpu.memref_squeeze %dma_wait3A_137 : memref<1x4x128xi32, #tpu.memory_space<vmem>> -> memref<4x128xi32, #tpu.memory_space<vmem>>
        %dma_wait3A_139 = arith.constant 0 : i32
        %dma_wait3A_140 = tpu.memref_slice %arg4[%mul3A_2, %dma_wait3A_139] : memref<2560x128xi32, #tpu.memory_space<hbm>> -> memref<4x128xi32, #tpu.memory_space<hbm>>
        %dma_wait3A_141 = arith.constant 0 : i32
        %dma_wait3A_142 = arith.constant 0 : i32
        %dma_wait3A_143 = tpu.memref_slice %arg7[%dma_wait3A, %dma_wait3A_141, %dma_wait3A_142] : memref<2x4x128xi32, #tpu.memory_space<vmem>> -> memref<1x4x128xi32, #tpu.memory_space<vmem>>
        %dma_wait3A_144 = tpu.memref_squeeze %dma_wait3A_143 : memref<1x4x128xi32, #tpu.memory_space<vmem>> -> memref<4x128xi32, #tpu.memory_space<vmem>>
        %dma_wait3A_145 = arith.constant 0 : i32
        %dma_wait3A_146 = tpu.memref_slice %arg4[%mul3A_2, %dma_wait3A_145] : memref<2560x128xi32, #tpu.memory_space<hbm>> -> memref<4x128xi32, #tpu.memory_space<hbm>>
        tpu.wait_dma2 semaphore(%arg17 : memref<!tpu.dma_semaphore, #tpu.memory_space<semaphore_mem>>) src(%dma_wait3A_146 : memref<4x128xi32, #tpu.memory_space<hbm>>) dst(%dma_wait3A_144 : memref<4x128xi32, #tpu.memory_space<vmem>>)
        %dma_wait3A_147 = arith.constant 0 : i32
        %dma_wait3A_148 = arith.constant 0 : i32
        %dma_wait3A_149 = arith.constant 0 : i32
        %dma_wait3A_150 = tpu.memref_slice %arg8[%dma_wait3A_147, %dma_wait3A_148, %dma_wait3A_149] : memref<2x4x128xi32, #tpu.memory_space<vmem>> -> memref<1x4x128xi32, #tpu.memory_space<vmem>>
        %dma_wait3A_151 = tpu.memref_squeeze %dma_wait3A_150 : memref<1x4x128xi32, #tpu.memory_space<vmem>> -> memref<4x128xi32, #tpu.memory_space<vmem>>
        %dma_wait3A_152 = arith.constant 0 : i32
        %dma_wait3A_153 = tpu.memref_slice %arg5[%mul3A_2, %dma_wait3A_152] : memref<2560x128xi32, #tpu.memory_space<hbm>> -> memref<4x128xi32, #tpu.memory_space<hbm>>
        %dma_wait3A_154 = arith.constant 0 : i32
        %dma_wait3A_155 = arith.constant 0 : i32
        %dma_wait3A_156 = tpu.memref_slice %arg8[%dma_wait3A_147, %dma_wait3A_154, %dma_wait3A_155] : memref<2x4x128xi32, #tpu.memory_space<vmem>> -> memref<1x4x128xi32, #tpu.memory_space<vmem>>
        %dma_wait3A_157 = tpu.memref_squeeze %dma_wait3A_156 : memref<1x4x128xi32, #tpu.memory_space<vmem>> -> memref<4x128xi32, #tpu.memory_space<vmem>>
        %dma_wait3A_158 = arith.constant 0 : i32
        %dma_wait3A_159 = tpu.memref_slice %arg5[%mul3A_2, %dma_wait3A_158] : memref<2560x128xi32, #tpu.memory_space<hbm>> -> memref<4x128xi32, #tpu.memory_space<hbm>>
        tpu.wait_dma2 semaphore(%arg17 : memref<!tpu.dma_semaphore, #tpu.memory_space<semaphore_mem>>) src(%dma_wait3A_159 : memref<4x128xi32, #tpu.memory_space<hbm>>) dst(%dma_wait3A_157 : memref<4x128xi32, #tpu.memory_space<vmem>>)
        %dma_start3A_160 = arith.constant 0 : i32
        %dma_start3A_161 = arith.constant 0 : i32
        %dma_start3A_162 = arith.constant 0 : i32
        %dma_start3A_163 = arith.constant 0 : i32
        %dma_start3A_164 = arith.constant 0 : i32
        %dma_start3A_165 = tpu.memref_slice %arg9[%dma_start3A_162, %dma_start3A_163, %dma_start3A_164] : memref<4x128x32xf32, #tpu.memory_space<vmem>> -> memref<1x128x32xf32, #tpu.memory_space<vmem>>
        %dma_start3A_166 = tpu.memref_squeeze %dma_start3A_165 : memref<1x128x32xf32, #tpu.memory_space<vmem>> -> memref<128x32xf32, #tpu.memory_space<vmem>>
        %dma_start3A_167 = arith.constant 0 : i32
        %dma_start3A_168 = tpu.memref_slice %arg7[%dma_start3A_160, %dma_start3A_161, %dma_start3A_167] : memref<2x4x128xi32, #tpu.memory_space<vmem>> -> memref<1x1x128xi32, #tpu.memory_space<vmem>>
        %dma_start3A_169 = tpu.memref_squeeze %dma_start3A_168 : memref<1x1x128xi32, #tpu.memory_space<vmem>> -> memref<128xi32, #tpu.memory_space<vmem>>
        %dma_start3A_170 = arith.constant 0 : i32
        %dma_start3A_171 = arith.constant 0 : i32
        %dma_start3A_172 = tpu.memref_slice %arg20[%dma_start3A_170, %dma_start3A_171] : memref<10240x32xf32, #tpu.memory_space<vmem_shared>> -> memref<10240x32xf32, #tpu.memory_space<vmem_shared>>
        tpu.enqueue_indirect_dma source(%dma_start3A_172 : memref<10240x32xf32, #tpu.memory_space<vmem_shared>>) target(%dma_start3A_166 : memref<128x32xf32, #tpu.memory_space<vmem>>) offsets(%dma_start3A_169 : memref<128xi32, #tpu.memory_space<vmem>>) semaphore(%arg15 : memref<!tpu.dma_semaphore, #tpu.memory_space<semaphore_mem>>)
        %dma_start3A_173 = arith.constant 0 : i32
        %dma_start3A_174 = arith.constant 1 : i32
        %dma_start3A_175 = arith.constant 1 : i32
        %dma_start3A_176 = arith.constant 0 : i32
        %dma_start3A_177 = arith.constant 0 : i32
        %dma_start3A_178 = tpu.memref_slice %arg9[%dma_start3A_175, %dma_start3A_176, %dma_start3A_177] : memref<4x128x32xf32, #tpu.memory_space<vmem>> -> memref<1x128x32xf32, #tpu.memory_space<vmem>>
        %dma_start3A_179 = tpu.memref_squeeze %dma_start3A_178 : memref<1x128x32xf32, #tpu.memory_space<vmem>> -> memref<128x32xf32, #tpu.memory_space<vmem>>
        %dma_start3A_180 = arith.constant 0 : i32
        %dma_start3A_181 = tpu.memref_slice %arg7[%dma_start3A_173, %dma_start3A_174, %dma_start3A_180] : memref<2x4x128xi32, #tpu.memory_space<vmem>> -> memref<1x1x128xi32, #tpu.memory_space<vmem>>
        %dma_start3A_182 = tpu.memref_squeeze %dma_start3A_181 : memref<1x1x128xi32, #tpu.memory_space<vmem>> -> memref<128xi32, #tpu.memory_space<vmem>>
        %dma_start3A_183 = arith.constant 0 : i32
        %dma_start3A_184 = arith.constant 0 : i32
        %dma_start3A_185 = tpu.memref_slice %arg20[%dma_start3A_183, %dma_start3A_184] : memref<10240x32xf32, #tpu.memory_space<vmem_shared>> -> memref<10240x32xf32, #tpu.memory_space<vmem_shared>>
        tpu.enqueue_indirect_dma source(%dma_start3A_185 : memref<10240x32xf32, #tpu.memory_space<vmem_shared>>) target(%dma_start3A_179 : memref<128x32xf32, #tpu.memory_space<vmem>>) offsets(%dma_start3A_182 : memref<128xi32, #tpu.memory_space<vmem>>) semaphore(%arg15 : memref<!tpu.dma_semaphore, #tpu.memory_space<semaphore_mem>>)
        %dma_start3A_186 = arith.constant 0 : i32
        %dma_start3A_187 = arith.constant 2 : i32
        %dma_start3A_188 = arith.constant 2 : i32
        %dma_start3A_189 = arith.constant 0 : i32
        %dma_start3A_190 = arith.constant 0 : i32
        %dma_start3A_191 = tpu.memref_slice %arg9[%dma_start3A_188, %dma_start3A_189, %dma_start3A_190] : memref<4x128x32xf32, #tpu.memory_space<vmem>> -> memref<1x128x32xf32, #tpu.memory_space<vmem>>
        %dma_start3A_192 = tpu.memref_squeeze %dma_start3A_191 : memref<1x128x32xf32, #tpu.memory_space<vmem>> -> memref<128x32xf32, #tpu.memory_space<vmem>>
        %dma_start3A_193 = arith.constant 0 : i32
        %dma_start3A_194 = tpu.memref_slice %arg7[%dma_start3A_186, %dma_start3A_187, %dma_start3A_193] : memref<2x4x128xi32, #tpu.memory_space<vmem>> -> memref<1x1x128xi32, #tpu.memory_space<vmem>>
        %dma_start3A_195 = tpu.memref_squeeze %dma_start3A_194 : memref<1x1x128xi32, #tpu.memory_space<vmem>> -> memref<128xi32, #tpu.memory_space<vmem>>
        %dma_start3A_196 = arith.constant 0 : i32
        %dma_start3A_197 = arith.constant 0 : i32
        %dma_start3A_198 = tpu.memref_slice %arg20[%dma_start3A_196, %dma_start3A_197] : memref<10240x32xf32, #tpu.memory_space<vmem_shared>> -> memref<10240x32xf32, #tpu.memory_space<vmem_shared>>
        tpu.enqueue_indirect_dma source(%dma_start3A_198 : memref<10240x32xf32, #tpu.memory_space<vmem_shared>>) target(%dma_start3A_192 : memref<128x32xf32, #tpu.memory_space<vmem>>) offsets(%dma_start3A_195 : memref<128xi32, #tpu.memory_space<vmem>>) semaphore(%arg15 : memref<!tpu.dma_semaphore, #tpu.memory_space<semaphore_mem>>)
        %dma_start3A_199 = arith.constant 0 : i32
        %dma_start3A_200 = arith.constant 3 : i32
        %dma_start3A_201 = arith.constant 3 : i32
        %dma_start3A_202 = arith.constant 0 : i32
        %dma_start3A_203 = arith.constant 0 : i32
        %dma_start3A_204 = tpu.memref_slice %arg9[%dma_start3A_201, %dma_start3A_202, %dma_start3A_203] : memref<4x128x32xf32, #tpu.memory_space<vmem>> -> memref<1x128x32xf32, #tpu.memory_space<vmem>>
        %dma_start3A_205 = tpu.memref_squeeze %dma_start3A_204 : memref<1x128x32xf32, #tpu.memory_space<vmem>> -> memref<128x32xf32, #tpu.memory_space<vmem>>
        %dma_start3A_206 = arith.constant 0 : i32
        %dma_start3A_207 = tpu.memref_slice %arg7[%dma_start3A_199, %dma_start3A_200, %dma_start3A_206] : memref<2x4x128xi32, #tpu.memory_space<vmem>> -> memref<1x1x128xi32, #tpu.memory_space<vmem>>
        %dma_start3A_208 = tpu.memref_squeeze %dma_start3A_207 : memref<1x1x128xi32, #tpu.memory_space<vmem>> -> memref<128xi32, #tpu.memory_space<vmem>>
        %dma_start3A_209 = arith.constant 0 : i32
        %dma_start3A_210 = arith.constant 0 : i32
        %dma_start3A_211 = tpu.memref_slice %arg20[%dma_start3A_209, %dma_start3A_210] : memref<10240x32xf32, #tpu.memory_space<vmem_shared>> -> memref<10240x32xf32, #tpu.memory_space<vmem_shared>>
        tpu.enqueue_indirect_dma source(%dma_start3A_211 : memref<10240x32xf32, #tpu.memory_space<vmem_shared>>) target(%dma_start3A_205 : memref<128x32xf32, #tpu.memory_space<vmem>>) offsets(%dma_start3A_208 : memref<128xi32, #tpu.memory_space<vmem>>) semaphore(%arg15 : memref<!tpu.dma_semaphore, #tpu.memory_space<semaphore_mem>>)
        %dma_wait3A_212 = arith.constant 0 : i32
        %dma_wait3A_213 = arith.constant 0 : i32
        %dma_wait3A_214 = arith.constant 0 : i32
        %dma_wait3A_215 = arith.constant 0 : i32
        %dma_wait3A_216 = arith.constant 0 : i32
        %dma_wait3A_217 = tpu.memref_slice %arg9[%dma_wait3A_214, %dma_wait3A_215, %dma_wait3A_216] : memref<4x128x32xf32, #tpu.memory_space<vmem>> -> memref<1x128x32xf32, #tpu.memory_space<vmem>>
        %dma_wait3A_218 = tpu.memref_squeeze %dma_wait3A_217 : memref<1x128x32xf32, #tpu.memory_space<vmem>> -> memref<128x32xf32, #tpu.memory_space<vmem>>
        %dma_wait3A_219 = arith.constant 0 : i32
        %dma_wait3A_220 = tpu.memref_slice %arg7[%dma_wait3A_212, %dma_wait3A_213, %dma_wait3A_219] : memref<2x4x128xi32, #tpu.memory_space<vmem>> -> memref<1x1x128xi32, #tpu.memory_space<vmem>>
        %dma_wait3A_221 = tpu.memref_squeeze %dma_wait3A_220 : memref<1x1x128xi32, #tpu.memory_space<vmem>> -> memref<128xi32, #tpu.memory_space<vmem>>
        %dma_wait3A_222 = arith.constant 0 : i32
        %dma_wait3A_223 = arith.constant 0 : i32
        %dma_wait3A_224 = tpu.memref_slice %arg20[%dma_wait3A_222, %dma_wait3A_223] : memref<10240x32xf32, #tpu.memory_space<vmem_shared>> -> memref<10240x32xf32, #tpu.memory_space<vmem_shared>>
        tpu.wait_indirect_dma semaphore(%arg15 : memref<!tpu.dma_semaphore, #tpu.memory_space<semaphore_mem>>) src(%dma_wait3A_224 : memref<10240x32xf32, #tpu.memory_space<vmem_shared>>) dst(%dma_wait3A_218 : memref<128x32xf32, #tpu.memory_space<vmem>>)
        %dma_start3A_225 = arith.constant 0 : i32
        %dma_start3A_226 = arith.constant 0 : i32
        %dma_start3A_227 = arith.constant 0 : i32
        %dma_start3A_228 = arith.constant 0 : i32
        %dma_start3A_229 = arith.constant 0 : i32
        %dma_start3A_230 = tpu.memref_slice %arg9[%dma_start3A_225, %dma_start3A_228, %dma_start3A_229] : memref<4x128x32xf32, #tpu.memory_space<vmem>> -> memref<1x128x32xf32, #tpu.memory_space<vmem>>
        %dma_start3A_231 = tpu.memref_squeeze %dma_start3A_230 : memref<1x128x32xf32, #tpu.memory_space<vmem>> -> memref<128x32xf32, #tpu.memory_space<vmem>>
        %dma_start3A_232 = arith.constant 0 : i32
        %dma_start3A_233 = tpu.memref_slice %arg8[%dma_start3A_226, %dma_start3A_227, %dma_start3A_232] : memref<2x4x128xi32, #tpu.memory_space<vmem>> -> memref<1x1x128xi32, #tpu.memory_space<vmem>>
        %dma_start3A_234 = tpu.memref_squeeze %dma_start3A_233 : memref<1x1x128xi32, #tpu.memory_space<vmem>> -> memref<128xi32, #tpu.memory_space<vmem>>
        %dma_start3A_235 = arith.constant 0 : i32
        %dma_start3A_236 = arith.constant 0 : i32
        %dma_start3A_237 = tpu.memref_slice %arg19[%dma_start3A_235, %dma_start3A_236] : memref<10240x32xf32, #tpu.memory_space<vmem_shared>> -> memref<10240x32xf32, #tpu.memory_space<vmem_shared>>
        tpu.enqueue_indirect_dma source(%dma_start3A_231 : memref<128x32xf32, #tpu.memory_space<vmem>>) target(%dma_start3A_237 : memref<10240x32xf32, #tpu.memory_space<vmem_shared>>) offsets(%dma_start3A_234 : memref<128xi32, #tpu.memory_space<vmem>>) semaphore(%arg16 : memref<!tpu.dma_semaphore, #tpu.memory_space<semaphore_mem>>) {add = true}
        %dma_wait3A_238 = arith.constant 0 : i32
        %dma_wait3A_239 = arith.constant 1 : i32
        %dma_wait3A_240 = arith.constant 1 : i32
        %dma_wait3A_241 = arith.constant 0 : i32
        %dma_wait3A_242 = arith.constant 0 : i32
        %dma_wait3A_243 = tpu.memref_slice %arg9[%dma_wait3A_240, %dma_wait3A_241, %dma_wait3A_242] : memref<4x128x32xf32, #tpu.memory_space<vmem>> -> memref<1x128x32xf32, #tpu.memory_space<vmem>>
        %dma_wait3A_244 = tpu.memref_squeeze %dma_wait3A_243 : memref<1x128x32xf32, #tpu.memory_space<vmem>> -> memref<128x32xf32, #tpu.memory_space<vmem>>
        %dma_wait3A_245 = arith.constant 0 : i32
        %dma_wait3A_246 = tpu.memref_slice %arg7[%dma_wait3A_238, %dma_wait3A_239, %dma_wait3A_245] : memref<2x4x128xi32, #tpu.memory_space<vmem>> -> memref<1x1x128xi32, #tpu.memory_space<vmem>>
        %dma_wait3A_247 = tpu.memref_squeeze %dma_wait3A_246 : memref<1x1x128xi32, #tpu.memory_space<vmem>> -> memref<128xi32, #tpu.memory_space<vmem>>
        %dma_wait3A_248 = arith.constant 0 : i32
        %dma_wait3A_249 = arith.constant 0 : i32
        %dma_wait3A_250 = tpu.memref_slice %arg20[%dma_wait3A_248, %dma_wait3A_249] : memref<10240x32xf32, #tpu.memory_space<vmem_shared>> -> memref<10240x32xf32, #tpu.memory_space<vmem_shared>>
        tpu.wait_indirect_dma semaphore(%arg15 : memref<!tpu.dma_semaphore, #tpu.memory_space<semaphore_mem>>) src(%dma_wait3A_250 : memref<10240x32xf32, #tpu.memory_space<vmem_shared>>) dst(%dma_wait3A_244 : memref<128x32xf32, #tpu.memory_space<vmem>>)
        %dma_start3A_251 = arith.constant 1 : i32
        %dma_start3A_252 = arith.constant 0 : i32
        %dma_start3A_253 = arith.constant 1 : i32
        %dma_start3A_254 = arith.constant 0 : i32
        %dma_start3A_255 = arith.constant 0 : i32
        %dma_start3A_256 = tpu.memref_slice %arg9[%dma_start3A_251, %dma_start3A_254, %dma_start3A_255] : memref<4x128x32xf32, #tpu.memory_space<vmem>> -> memref<1x128x32xf32, #tpu.memory_space<vmem>>
        %dma_start3A_257 = tpu.memref_squeeze %dma_start3A_256 : memref<1x128x32xf32, #tpu.memory_space<vmem>> -> memref<128x32xf32, #tpu.memory_space<vmem>>
        %dma_start3A_258 = arith.constant 0 : i32
        %dma_start3A_259 = tpu.memref_slice %arg8[%dma_start3A_252, %dma_start3A_253, %dma_start3A_258] : memref<2x4x128xi32, #tpu.memory_space<vmem>> -> memref<1x1x128xi32, #tpu.memory_space<vmem>>
        %dma_start3A_260 = tpu.memref_squeeze %dma_start3A_259 : memref<1x1x128xi32, #tpu.memory_space<vmem>> -> memref<128xi32, #tpu.memory_space<vmem>>
        %dma_start3A_261 = arith.constant 0 : i32
        %dma_start3A_262 = arith.constant 0 : i32
        %dma_start3A_263 = tpu.memref_slice %arg19[%dma_start3A_261, %dma_start3A_262] : memref<10240x32xf32, #tpu.memory_space<vmem_shared>> -> memref<10240x32xf32, #tpu.memory_space<vmem_shared>>
        tpu.enqueue_indirect_dma source(%dma_start3A_257 : memref<128x32xf32, #tpu.memory_space<vmem>>) target(%dma_start3A_263 : memref<10240x32xf32, #tpu.memory_space<vmem_shared>>) offsets(%dma_start3A_260 : memref<128xi32, #tpu.memory_space<vmem>>) semaphore(%arg16 : memref<!tpu.dma_semaphore, #tpu.memory_space<semaphore_mem>>) {add = true}
        %dma_wait3A_264 = arith.constant 0 : i32
        %dma_wait3A_265 = arith.constant 2 : i32
        %dma_wait3A_266 = arith.constant 2 : i32
        %dma_wait3A_267 = arith.constant 0 : i32
        %dma_wait3A_268 = arith.constant 0 : i32
        %dma_wait3A_269 = tpu.memref_slice %arg9[%dma_wait3A_266, %dma_wait3A_267, %dma_wait3A_268] : memref<4x128x32xf32, #tpu.memory_space<vmem>> -> memref<1x128x32xf32, #tpu.memory_space<vmem>>
        %dma_wait3A_270 = tpu.memref_squeeze %dma_wait3A_269 : memref<1x128x32xf32, #tpu.memory_space<vmem>> -> memref<128x32xf32, #tpu.memory_space<vmem>>
        %dma_wait3A_271 = arith.constant 0 : i32
        %dma_wait3A_272 = tpu.memref_slice %arg7[%dma_wait3A_264, %dma_wait3A_265, %dma_wait3A_271] : memref<2x4x128xi32, #tpu.memory_space<vmem>> -> memref<1x1x128xi32, #tpu.memory_space<vmem>>
        %dma_wait3A_273 = tpu.memref_squeeze %dma_wait3A_272 : memref<1x1x128xi32, #tpu.memory_space<vmem>> -> memref<128xi32, #tpu.memory_space<vmem>>
        %dma_wait3A_274 = arith.constant 0 : i32
        %dma_wait3A_275 = arith.constant 0 : i32
        %dma_wait3A_276 = tpu.memref_slice %arg20[%dma_wait3A_274, %dma_wait3A_275] : memref<10240x32xf32, #tpu.memory_space<vmem_shared>> -> memref<10240x32xf32, #tpu.memory_space<vmem_shared>>
        tpu.wait_indirect_dma semaphore(%arg15 : memref<!tpu.dma_semaphore, #tpu.memory_space<semaphore_mem>>) src(%dma_wait3A_276 : memref<10240x32xf32, #tpu.memory_space<vmem_shared>>) dst(%dma_wait3A_270 : memref<128x32xf32, #tpu.memory_space<vmem>>)
        %dma_start3A_277 = arith.constant 2 : i32
        %dma_start3A_278 = arith.constant 0 : i32
        %dma_start3A_279 = arith.constant 2 : i32
        %dma_start3A_280 = arith.constant 0 : i32
        %dma_start3A_281 = arith.constant 0 : i32
        %dma_start3A_282 = tpu.memref_slice %arg9[%dma_start3A_277, %dma_start3A_280, %dma_start3A_281] : memref<4x128x32xf32, #tpu.memory_space<vmem>> -> memref<1x128x32xf32, #tpu.memory_space<vmem>>
        %dma_start3A_283 = tpu.memref_squeeze %dma_start3A_282 : memref<1x128x32xf32, #tpu.memory_space<vmem>> -> memref<128x32xf32, #tpu.memory_space<vmem>>
        %dma_start3A_284 = arith.constant 0 : i32
        %dma_start3A_285 = tpu.memref_slice %arg8[%dma_start3A_278, %dma_start3A_279, %dma_start3A_284] : memref<2x4x128xi32, #tpu.memory_space<vmem>> -> memref<1x1x128xi32, #tpu.memory_space<vmem>>
        %dma_start3A_286 = tpu.memref_squeeze %dma_start3A_285 : memref<1x1x128xi32, #tpu.memory_space<vmem>> -> memref<128xi32, #tpu.memory_space<vmem>>
        %dma_start3A_287 = arith.constant 0 : i32
        %dma_start3A_288 = arith.constant 0 : i32
        %dma_start3A_289 = tpu.memref_slice %arg19[%dma_start3A_287, %dma_start3A_288] : memref<10240x32xf32, #tpu.memory_space<vmem_shared>> -> memref<10240x32xf32, #tpu.memory_space<vmem_shared>>
        tpu.enqueue_indirect_dma source(%dma_start3A_283 : memref<128x32xf32, #tpu.memory_space<vmem>>) target(%dma_start3A_289 : memref<10240x32xf32, #tpu.memory_space<vmem_shared>>) offsets(%dma_start3A_286 : memref<128xi32, #tpu.memory_space<vmem>>) semaphore(%arg16 : memref<!tpu.dma_semaphore, #tpu.memory_space<semaphore_mem>>) {add = true}
        %dma_wait3A_290 = arith.constant 0 : i32
        %dma_wait3A_291 = arith.constant 3 : i32
        %dma_wait3A_292 = arith.constant 3 : i32
        %dma_wait3A_293 = arith.constant 0 : i32
        %dma_wait3A_294 = arith.constant 0 : i32
        %dma_wait3A_295 = tpu.memref_slice %arg9[%dma_wait3A_292, %dma_wait3A_293, %dma_wait3A_294] : memref<4x128x32xf32, #tpu.memory_space<vmem>> -> memref<1x128x32xf32, #tpu.memory_space<vmem>>
        %dma_wait3A_296 = tpu.memref_squeeze %dma_wait3A_295 : memref<1x128x32xf32, #tpu.memory_space<vmem>> -> memref<128x32xf32, #tpu.memory_space<vmem>>
        %dma_wait3A_297 = arith.constant 0 : i32
        %dma_wait3A_298 = tpu.memref_slice %arg7[%dma_wait3A_290, %dma_wait3A_291, %dma_wait3A_297] : memref<2x4x128xi32, #tpu.memory_space<vmem>> -> memref<1x1x128xi32, #tpu.memory_space<vmem>>
        %dma_wait3A_299 = tpu.memref_squeeze %dma_wait3A_298 : memref<1x1x128xi32, #tpu.memory_space<vmem>> -> memref<128xi32, #tpu.memory_space<vmem>>
        %dma_wait3A_300 = arith.constant 0 : i32
        %dma_wait3A_301 = arith.constant 0 : i32
        %dma_wait3A_302 = tpu.memref_slice %arg20[%dma_wait3A_300, %dma_wait3A_301] : memref<10240x32xf32, #tpu.memory_space<vmem_shared>> -> memref<10240x32xf32, #tpu.memory_space<vmem_shared>>
        tpu.wait_indirect_dma semaphore(%arg15 : memref<!tpu.dma_semaphore, #tpu.memory_space<semaphore_mem>>) src(%dma_wait3A_302 : memref<10240x32xf32, #tpu.memory_space<vmem_shared>>) dst(%dma_wait3A_296 : memref<128x32xf32, #tpu.memory_space<vmem>>)
        %dma_start3A_303 = arith.constant 3 : i32
        %dma_start3A_304 = arith.constant 0 : i32
        %dma_start3A_305 = arith.constant 3 : i32
        %dma_start3A_306 = arith.constant 0 : i32
        %dma_start3A_307 = arith.constant 0 : i32
        %dma_start3A_308 = tpu.memref_slice %arg9[%dma_start3A_303, %dma_start3A_306, %dma_start3A_307] : memref<4x128x32xf32, #tpu.memory_space<vmem>> -> memref<1x128x32xf32, #tpu.memory_space<vmem>>
        %dma_start3A_309 = tpu.memref_squeeze %dma_start3A_308 : memref<1x128x32xf32, #tpu.memory_space<vmem>> -> memref<128x32xf32, #tpu.memory_space<vmem>>
        %dma_start3A_310 = arith.constant 0 : i32
        %dma_start3A_311 = tpu.memref_slice %arg8[%dma_start3A_304, %dma_start3A_305, %dma_start3A_310] : memref<2x4x128xi32, #tpu.memory_space<vmem>> -> memref<1x1x128xi32, #tpu.memory_space<vmem>>
        %dma_start3A_312 = tpu.memref_squeeze %dma_start3A_311 : memref<1x1x128xi32, #tpu.memory_space<vmem>> -> memref<128xi32, #tpu.memory_space<vmem>>
        %dma_start3A_313 = arith.constant 0 : i32
        %dma_start3A_314 = arith.constant 0 : i32
        %dma_start3A_315 = tpu.memref_slice %arg19[%dma_start3A_313, %dma_start3A_314] : memref<10240x32xf32, #tpu.memory_space<vmem_shared>> -> memref<10240x32xf32, #tpu.memory_space<vmem_shared>>
        tpu.enqueue_indirect_dma source(%dma_start3A_309 : memref<128x32xf32, #tpu.memory_space<vmem>>) target(%dma_start3A_315 : memref<10240x32xf32, #tpu.memory_space<vmem_shared>>) offsets(%dma_start3A_312 : memref<128xi32, #tpu.memory_space<vmem>>) semaphore(%arg16 : memref<!tpu.dma_semaphore, #tpu.memory_space<semaphore_mem>>) {add = true}
        %dma_wait3A_316 = arith.constant 0 : i32
        %dma_wait3A_317 = arith.constant 0 : i32
        %dma_wait3A_318 = arith.constant 0 : i32
        %dma_wait3A_319 = arith.constant 0 : i32
        %dma_wait3A_320 = arith.constant 0 : i32
        %dma_wait3A_321 = tpu.memref_slice %arg9[%dma_wait3A_316, %dma_wait3A_319, %dma_wait3A_320] : memref<4x128x32xf32, #tpu.memory_space<vmem>> -> memref<1x128x32xf32, #tpu.memory_space<vmem>>
        %dma_wait3A_322 = tpu.memref_squeeze %dma_wait3A_321 : memref<1x128x32xf32, #tpu.memory_space<vmem>> -> memref<128x32xf32, #tpu.memory_space<vmem>>
        %dma_wait3A_323 = arith.constant 0 : i32
        %dma_wait3A_324 = tpu.memref_slice %arg8[%dma_wait3A_317, %dma_wait3A_318, %dma_wait3A_323] : memref<2x4x128xi32, #tpu.memory_space<vmem>> -> memref<1x1x128xi32, #tpu.memory_space<vmem>>
        %dma_wait3A_325 = tpu.memref_squeeze %dma_wait3A_324 : memref<1x1x128xi32, #tpu.memory_space<vmem>> -> memref<128xi32, #tpu.memory_space<vmem>>
        %dma_wait3A_326 = arith.constant 0 : i32
        %dma_wait3A_327 = arith.constant 0 : i32
        %dma_wait3A_328 = tpu.memref_slice %arg19[%dma_wait3A_326, %dma_wait3A_327] : memref<10240x32xf32, #tpu.memory_space<vmem_shared>> -> memref<10240x32xf32, #tpu.memory_space<vmem_shared>>
        tpu.wait_indirect_dma semaphore(%arg16 : memref<!tpu.dma_semaphore, #tpu.memory_space<semaphore_mem>>) src(%dma_wait3A_322 : memref<128x32xf32, #tpu.memory_space<vmem>>) dst(%dma_wait3A_328 : memref<10240x32xf32, #tpu.memory_space<vmem_shared>>)
        %dma_wait3A_329 = arith.constant 1 : i32
        %dma_wait3A_330 = arith.constant 0 : i32
        %dma_wait3A_331 = arith.constant 1 : i32
        %dma_wait3A_332 = arith.constant 0 : i32
        %dma_wait3A_333 = arith.constant 0 : i32
        %dma_wait3A_334 = tpu.memref_slice %arg9[%dma_wait3A_329, %dma_wait3A_332, %dma_wait3A_333] : memref<4x128x32xf32, #tpu.memory_space<vmem>> -> memref<1x128x32xf32, #tpu.memory_space<vmem>>
        %dma_wait3A_335 = tpu.memref_squeeze %dma_wait3A_334 : memref<1x128x32xf32, #tpu.memory_space<vmem>> -> memref<128x32xf32, #tpu.memory_space<vmem>>
        %dma_wait3A_336 = arith.constant 0 : i32
        %dma_wait3A_337 = tpu.memref_slice %arg8[%dma_wait3A_330, %dma_wait3A_331, %dma_wait3A_336] : memref<2x4x128xi32, #tpu.memory_space<vmem>> -> memref<1x1x128xi32, #tpu.memory_space<vmem>>
        %dma_wait3A_338 = tpu.memref_squeeze %dma_wait3A_337 : memref<1x1x128xi32, #tpu.memory_space<vmem>> -> memref<128xi32, #tpu.memory_space<vmem>>
        %dma_wait3A_339 = arith.constant 0 : i32
        %dma_wait3A_340 = arith.constant 0 : i32
        %dma_wait3A_341 = tpu.memref_slice %arg19[%dma_wait3A_339, %dma_wait3A_340] : memref<10240x32xf32, #tpu.memory_space<vmem_shared>> -> memref<10240x32xf32, #tpu.memory_space<vmem_shared>>
        tpu.wait_indirect_dma semaphore(%arg16 : memref<!tpu.dma_semaphore, #tpu.memory_space<semaphore_mem>>) src(%dma_wait3A_335 : memref<128x32xf32, #tpu.memory_space<vmem>>) dst(%dma_wait3A_341 : memref<10240x32xf32, #tpu.memory_space<vmem_shared>>)
        %dma_wait3A_342 = arith.constant 2 : i32
        %dma_wait3A_343 = arith.constant 0 : i32
        %dma_wait3A_344 = arith.constant 2 : i32
        %dma_wait3A_345 = arith.constant 0 : i32
        %dma_wait3A_346 = arith.constant 0 : i32
        %dma_wait3A_347 = tpu.memref_slice %arg9[%dma_wait3A_342, %dma_wait3A_345, %dma_wait3A_346] : memref<4x128x32xf32, #tpu.memory_space<vmem>> -> memref<1x128x32xf32, #tpu.memory_space<vmem>>
        %dma_wait3A_348 = tpu.memref_squeeze %dma_wait3A_347 : memref<1x128x32xf32, #tpu.memory_space<vmem>> -> memref<128x32xf32, #tpu.memory_space<vmem>>
        %dma_wait3A_349 = arith.constant 0 : i32
        %dma_wait3A_350 = tpu.memref_slice %arg8[%dma_wait3A_343, %dma_wait3A_344, %dma_wait3A_349] : memref<2x4x128xi32, #tpu.memory_space<vmem>> -> memref<1x1x128xi32, #tpu.memory_space<vmem>>
        %dma_wait3A_351 = tpu.memref_squeeze %dma_wait3A_350 : memref<1x1x128xi32, #tpu.memory_space<vmem>> -> memref<128xi32, #tpu.memory_space<vmem>>
        %dma_wait3A_352 = arith.constant 0 : i32
        %dma_wait3A_353 = arith.constant 0 : i32
        %dma_wait3A_354 = tpu.memref_slice %arg19[%dma_wait3A_352, %dma_wait3A_353] : memref<10240x32xf32, #tpu.memory_space<vmem_shared>> -> memref<10240x32xf32, #tpu.memory_space<vmem_shared>>
        tpu.wait_indirect_dma semaphore(%arg16 : memref<!tpu.dma_semaphore, #tpu.memory_space<semaphore_mem>>) src(%dma_wait3A_348 : memref<128x32xf32, #tpu.memory_space<vmem>>) dst(%dma_wait3A_354 : memref<10240x32xf32, #tpu.memory_space<vmem_shared>>)
        %dma_wait3A_355 = arith.constant 3 : i32
        %dma_wait3A_356 = arith.constant 0 : i32
        %dma_wait3A_357 = arith.constant 3 : i32
        %dma_wait3A_358 = arith.constant 0 : i32
        %dma_wait3A_359 = arith.constant 0 : i32
        %dma_wait3A_360 = tpu.memref_slice %arg9[%dma_wait3A_355, %dma_wait3A_358, %dma_wait3A_359] : memref<4x128x32xf32, #tpu.memory_space<vmem>> -> memref<1x128x32xf32, #tpu.memory_space<vmem>>
        %dma_wait3A_361 = tpu.memref_squeeze %dma_wait3A_360 : memref<1x128x32xf32, #tpu.memory_space<vmem>> -> memref<128x32xf32, #tpu.memory_space<vmem>>
        %dma_wait3A_362 = arith.constant 0 : i32
        %dma_wait3A_363 = tpu.memref_slice %arg8[%dma_wait3A_356, %dma_wait3A_357, %dma_wait3A_362] : memref<2x4x128xi32, #tpu.memory_space<vmem>> -> memref<1x1x128xi32, #tpu.memory_space<vmem>>
        %dma_wait3A_364 = tpu.memref_squeeze %dma_wait3A_363 : memref<1x1x128xi32, #tpu.memory_space<vmem>> -> memref<128xi32, #tpu.memory_space<vmem>>
        %dma_wait3A_365 = arith.constant 0 : i32
        %dma_wait3A_366 = arith.constant 0 : i32
        %dma_wait3A_367 = tpu.memref_slice %arg19[%dma_wait3A_365, %dma_wait3A_366] : memref<10240x32xf32, #tpu.memory_space<vmem_shared>> -> memref<10240x32xf32, #tpu.memory_space<vmem_shared>>
        tpu.wait_indirect_dma semaphore(%arg16 : memref<!tpu.dma_semaphore, #tpu.memory_space<semaphore_mem>>) src(%dma_wait3A_361 : memref<128x32xf32, #tpu.memory_space<vmem>>) dst(%dma_wait3A_367 : memref<10240x32xf32, #tpu.memory_space<vmem_shared>>)
        %add3A_368 = arith.constant 1 : i32
        %add3A_369 = arith.addi %scan3A_98, %add3A_368 : i32
        %lt3A = arith.constant 20 : i32
        %lt3A_370 = arith.cmpi slt, %add3A_369, %lt3A : i32
        %convert_element_type3A = arith.extui %lt3A_370 : i1 to i32
        %cond3A = arith.constant 0 : i32
        %cond3A_371 = arith.cmpi ne, %convert_element_type3A, %cond3A : i32
        scf.if %cond3A_371 {
          %mul3A_606 = arith.constant 2 : i32
          %mul3A_607 = arith.muli %scan3A_98, %mul3A_606 : i32
          %add3A_608 = arith.constant 2 : i32
          %add3A_609 = arith.addi %mul3A_607, %add3A_608 : i32
          %mul3A_610 = arith.constant 4 : i32
          %mul3A_611 = arith.muli %add3A_609, %mul3A_610 : i32
          %add3A_612 = arith.addi %mul3A_2, %mul3A_611 : i32
          %dma_start3A_613 = arith.constant 0 : i32
          %dma_start3A_614 = arith.constant 0 : i32
          %dma_start3A_615 = arith.constant 0 : i32
          %dma_start3A_616 = tpu.memref_slice %arg7[%dma_start3A_613, %dma_start3A_614, %dma_start3A_615] : memref<2x4x128xi32, #tpu.memory_space<vmem>> -> memref<1x4x128xi32, #tpu.memory_space<vmem>>
          %dma_start3A_617 = tpu.memref_squeeze %dma_start3A_616 : memref<1x4x128xi32, #tpu.memory_space<vmem>> -> memref<4x128xi32, #tpu.memory_space<vmem>>
          %dma_start3A_618 = arith.constant 0 : i32
          %dma_start3A_619 = tpu.memref_slice %arg4[%add3A_612, %dma_start3A_618] : memref<2560x128xi32, #tpu.memory_space<hbm>> -> memref<4x128xi32, #tpu.memory_space<hbm>>
          %dma_start3A_620 = arith.constant 0 : i32
          %dma_start3A_621 = arith.constant 0 : i32
          %dma_start3A_622 = tpu.memref_slice %arg7[%dma_start3A_613, %dma_start3A_620, %dma_start3A_621] : memref<2x4x128xi32, #tpu.memory_space<vmem>> -> memref<1x4x128xi32, #tpu.memory_space<vmem>>
          %dma_start3A_623 = tpu.memref_squeeze %dma_start3A_622 : memref<1x4x128xi32, #tpu.memory_space<vmem>> -> memref<4x128xi32, #tpu.memory_space<vmem>>
          %dma_start3A_624 = arith.constant 0 : i32
          %dma_start3A_625 = tpu.memref_slice %arg4[%add3A_612, %dma_start3A_624] : memref<2560x128xi32, #tpu.memory_space<hbm>> -> memref<4x128xi32, #tpu.memory_space<hbm>>
          tpu.enqueue_dma source(%dma_start3A_625 : memref<4x128xi32, #tpu.memory_space<hbm>>) target(%dma_start3A_623 : memref<4x128xi32, #tpu.memory_space<vmem>>) target_semaphore(%arg17 : memref<!tpu.dma_semaphore, #tpu.memory_space<semaphore_mem>>)
          %mul3A_626 = arith.constant 4 : i32
          %mul3A_627 = arith.muli %add3A_609, %mul3A_626 : i32
          %add3A_628 = arith.addi %mul3A_2, %mul3A_627 : i32
          %dma_start3A_629 = arith.constant 0 : i32
          %dma_start3A_630 = arith.constant 0 : i32
          %dma_start3A_631 = arith.constant 0 : i32
          %dma_start3A_632 = tpu.memref_slice %arg8[%dma_start3A_629, %dma_start3A_630, %dma_start3A_631] : memref<2x4x128xi32, #tpu.memory_space<vmem>> -> memref<1x4x128xi32, #tpu.memory_space<vmem>>
          %dma_start3A_633 = tpu.memref_squeeze %dma_start3A_632 : memref<1x4x128xi32, #tpu.memory_space<vmem>> -> memref<4x128xi32, #tpu.memory_space<vmem>>
          %dma_start3A_634 = arith.constant 0 : i32
          %dma_start3A_635 = tpu.memref_slice %arg5[%add3A_628, %dma_start3A_634] : memref<2560x128xi32, #tpu.memory_space<hbm>> -> memref<4x128xi32, #tpu.memory_space<hbm>>
          %dma_start3A_636 = arith.constant 0 : i32
          %dma_start3A_637 = arith.constant 0 : i32
          %dma_start3A_638 = tpu.memref_slice %arg8[%dma_start3A_629, %dma_start3A_636, %dma_start3A_637] : memref<2x4x128xi32, #tpu.memory_space<vmem>> -> memref<1x4x128xi32, #tpu.memory_space<vmem>>
          %dma_start3A_639 = tpu.memref_squeeze %dma_start3A_638 : memref<1x4x128xi32, #tpu.memory_space<vmem>> -> memref<4x128xi32, #tpu.memory_space<vmem>>
          %dma_start3A_640 = arith.constant 0 : i32
          %dma_start3A_641 = tpu.memref_slice %arg5[%add3A_628, %dma_start3A_640] : memref<2560x128xi32, #tpu.memory_space<hbm>> -> memref<4x128xi32, #tpu.memory_space<hbm>>
          tpu.enqueue_dma source(%dma_start3A_641 : memref<4x128xi32, #tpu.memory_space<hbm>>) target(%dma_start3A_639 : memref<4x128xi32, #tpu.memory_space<vmem>>) target_semaphore(%arg17 : memref<!tpu.dma_semaphore, #tpu.memory_space<semaphore_mem>>)
        } else {
        }
        %dma_wait3A_372 = arith.constant 1 : i32
        %dma_wait3A_373 = arith.constant 0 : i32
        %dma_wait3A_374 = arith.constant 0 : i32
        %dma_wait3A_375 = tpu.memref_slice %arg7[%dma_wait3A_372, %dma_wait3A_373, %dma_wait3A_374] : memref<2x4x128xi32, #tpu.memory_space<vmem>> -> memref<1x4x128xi32, #tpu.memory_space<vmem>>
        %dma_wait3A_376 = tpu.memref_squeeze %dma_wait3A_375 : memref<1x4x128xi32, #tpu.memory_space<vmem>> -> memref<4x128xi32, #tpu.memory_space<vmem>>
        %dma_wait3A_377 = arith.constant 0 : i32
        %dma_wait3A_378 = tpu.memref_slice %arg4[%mul3A_2, %dma_wait3A_377] : memref<2560x128xi32, #tpu.memory_space<hbm>> -> memref<4x128xi32, #tpu.memory_space<hbm>>
        %dma_wait3A_379 = arith.constant 0 : i32
        %dma_wait3A_380 = arith.constant 0 : i32
        %dma_wait3A_381 = tpu.memref_slice %arg7[%dma_wait3A_372, %dma_wait3A_379, %dma_wait3A_380] : memref<2x4x128xi32, #tpu.memory_space<vmem>> -> memref<1x4x128xi32, #tpu.memory_space<vmem>>
        %dma_wait3A_382 = tpu.memref_squeeze %dma_wait3A_381 : memref<1x4x128xi32, #tpu.memory_space<vmem>> -> memref<4x128xi32, #tpu.memory_space<vmem>>
        %dma_wait3A_383 = arith.constant 0 : i32
        %dma_wait3A_384 = tpu.memref_slice %arg4[%mul3A_2, %dma_wait3A_383] : memref<2560x128xi32, #tpu.memory_space<hbm>> -> memref<4x128xi32, #tpu.memory_space<hbm>>
        tpu.wait_dma2 semaphore(%arg18 : memref<!tpu.dma_semaphore, #tpu.memory_space<semaphore_mem>>) src(%dma_wait3A_384 : memref<4x128xi32, #tpu.memory_space<hbm>>) dst(%dma_wait3A_382 : memref<4x128xi32, #tpu.memory_space<vmem>>)
        %dma_wait3A_385 = arith.constant 1 : i32
        %dma_wait3A_386 = arith.constant 0 : i32
        %dma_wait3A_387 = arith.constant 0 : i32
        %dma_wait3A_388 = tpu.memref_slice %arg8[%dma_wait3A_385, %dma_wait3A_386, %dma_wait3A_387] : memref<2x4x128xi32, #tpu.memory_space<vmem>> -> memref<1x4x128xi32, #tpu.memory_space<vmem>>
        %dma_wait3A_389 = tpu.memref_squeeze %dma_wait3A_388 : memref<1x4x128xi32, #tpu.memory_space<vmem>> -> memref<4x128xi32, #tpu.memory_space<vmem>>
        %dma_wait3A_390 = arith.constant 0 : i32
        %dma_wait3A_391 = tpu.memref_slice %arg5[%mul3A_2, %dma_wait3A_390] : memref<2560x128xi32, #tpu.memory_space<hbm>> -> memref<4x128xi32, #tpu.memory_space<hbm>>
        %dma_wait3A_392 = arith.constant 0 : i32
        %dma_wait3A_393 = arith.constant 0 : i32
        %dma_wait3A_394 = tpu.memref_slice %arg8[%dma_wait3A_385, %dma_wait3A_392, %dma_wait3A_393] : memref<2x4x128xi32, #tpu.memory_space<vmem>> -> memref<1x4x128xi32, #tpu.memory_space<vmem>>
        %dma_wait3A_395 = tpu.memref_squeeze %dma_wait3A_394 : memref<1x4x128xi32, #tpu.memory_space<vmem>> -> memref<4x128xi32, #tpu.memory_space<vmem>>
        %dma_wait3A_396 = arith.constant 0 : i32
        %dma_wait3A_397 = tpu.memref_slice %arg5[%mul3A_2, %dma_wait3A_396] : memref<2560x128xi32, #tpu.memory_space<hbm>> -> memref<4x128xi32, #tpu.memory_space<hbm>>
        tpu.wait_dma2 semaphore(%arg18 : memref<!tpu.dma_semaphore, #tpu.memory_space<semaphore_mem>>) src(%dma_wait3A_397 : memref<4x128xi32, #tpu.memory_space<hbm>>) dst(%dma_wait3A_395 : memref<4x128xi32, #tpu.memory_space<vmem>>)
        %dma_start3A_398 = arith.constant 1 : i32
        %dma_start3A_399 = arith.constant 0 : i32
        %dma_start3A_400 = arith.constant 0 : i32
        %dma_start3A_401 = arith.constant 0 : i32
        %dma_start3A_402 = arith.constant 0 : i32
        %dma_start3A_403 = tpu.memref_slice %arg9[%dma_start3A_400, %dma_start3A_401, %dma_start3A_402] : memref<4x128x32xf32, #tpu.memory_space<vmem>> -> memref<1x128x32xf32, #tpu.memory_space<vmem>>
        %dma_start3A_404 = tpu.memref_squeeze %dma_start3A_403 : memref<1x128x32xf32, #tpu.memory_space<vmem>> -> memref<128x32xf32, #tpu.memory_space<vmem>>
        %dma_start3A_405 = arith.constant 0 : i32
        %dma_start3A_406 = tpu.memref_slice %arg7[%dma_start3A_398, %dma_start3A_399, %dma_start3A_405] : memref<2x4x128xi32, #tpu.memory_space<vmem>> -> memref<1x1x128xi32, #tpu.memory_space<vmem>>
        %dma_start3A_407 = tpu.memref_squeeze %dma_start3A_406 : memref<1x1x128xi32, #tpu.memory_space<vmem>> -> memref<128xi32, #tpu.memory_space<vmem>>
        %dma_start3A_408 = arith.constant 0 : i32
        %dma_start3A_409 = arith.constant 0 : i32
        %dma_start3A_410 = tpu.memref_slice %arg20[%dma_start3A_408, %dma_start3A_409] : memref<10240x32xf32, #tpu.memory_space<vmem_shared>> -> memref<10240x32xf32, #tpu.memory_space<vmem_shared>>
        tpu.enqueue_indirect_dma source(%dma_start3A_410 : memref<10240x32xf32, #tpu.memory_space<vmem_shared>>) target(%dma_start3A_404 : memref<128x32xf32, #tpu.memory_space<vmem>>) offsets(%dma_start3A_407 : memref<128xi32, #tpu.memory_space<vmem>>) semaphore(%arg15 : memref<!tpu.dma_semaphore, #tpu.memory_space<semaphore_mem>>)
        %dma_start3A_411 = arith.constant 1 : i32
        %dma_start3A_412 = arith.constant 1 : i32
        %dma_start3A_413 = arith.constant 1 : i32
        %dma_start3A_414 = arith.constant 0 : i32
        %dma_start3A_415 = arith.constant 0 : i32
        %dma_start3A_416 = tpu.memref_slice %arg9[%dma_start3A_413, %dma_start3A_414, %dma_start3A_415] : memref<4x128x32xf32, #tpu.memory_space<vmem>> -> memref<1x128x32xf32, #tpu.memory_space<vmem>>
        %dma_start3A_417 = tpu.memref_squeeze %dma_start3A_416 : memref<1x128x32xf32, #tpu.memory_space<vmem>> -> memref<128x32xf32, #tpu.memory_space<vmem>>
        %dma_start3A_418 = arith.constant 0 : i32
        %dma_start3A_419 = tpu.memref_slice %arg7[%dma_start3A_411, %dma_start3A_412, %dma_start3A_418] : memref<2x4x128xi32, #tpu.memory_space<vmem>> -> memref<1x1x128xi32, #tpu.memory_space<vmem>>
        %dma_start3A_420 = tpu.memref_squeeze %dma_start3A_419 : memref<1x1x128xi32, #tpu.memory_space<vmem>> -> memref<128xi32, #tpu.memory_space<vmem>>
        %dma_start3A_421 = arith.constant 0 : i32
        %dma_start3A_422 = arith.constant 0 : i32
        %dma_start3A_423 = tpu.memref_slice %arg20[%dma_start3A_421, %dma_start3A_422] : memref<10240x32xf32, #tpu.memory_space<vmem_shared>> -> memref<10240x32xf32, #tpu.memory_space<vmem_shared>>
        tpu.enqueue_indirect_dma source(%dma_start3A_423 : memref<10240x32xf32, #tpu.memory_space<vmem_shared>>) target(%dma_start3A_417 : memref<128x32xf32, #tpu.memory_space<vmem>>) offsets(%dma_start3A_420 : memref<128xi32, #tpu.memory_space<vmem>>) semaphore(%arg15 : memref<!tpu.dma_semaphore, #tpu.memory_space<semaphore_mem>>)
        %dma_start3A_424 = arith.constant 1 : i32
        %dma_start3A_425 = arith.constant 2 : i32
        %dma_start3A_426 = arith.constant 2 : i32
        %dma_start3A_427 = arith.constant 0 : i32
        %dma_start3A_428 = arith.constant 0 : i32
        %dma_start3A_429 = tpu.memref_slice %arg9[%dma_start3A_426, %dma_start3A_427, %dma_start3A_428] : memref<4x128x32xf32, #tpu.memory_space<vmem>> -> memref<1x128x32xf32, #tpu.memory_space<vmem>>
        %dma_start3A_430 = tpu.memref_squeeze %dma_start3A_429 : memref<1x128x32xf32, #tpu.memory_space<vmem>> -> memref<128x32xf32, #tpu.memory_space<vmem>>
        %dma_start3A_431 = arith.constant 0 : i32
        %dma_start3A_432 = tpu.memref_slice %arg7[%dma_start3A_424, %dma_start3A_425, %dma_start3A_431] : memref<2x4x128xi32, #tpu.memory_space<vmem>> -> memref<1x1x128xi32, #tpu.memory_space<vmem>>
        %dma_start3A_433 = tpu.memref_squeeze %dma_start3A_432 : memref<1x1x128xi32, #tpu.memory_space<vmem>> -> memref<128xi32, #tpu.memory_space<vmem>>
        %dma_start3A_434 = arith.constant 0 : i32
        %dma_start3A_435 = arith.constant 0 : i32
        %dma_start3A_436 = tpu.memref_slice %arg20[%dma_start3A_434, %dma_start3A_435] : memref<10240x32xf32, #tpu.memory_space<vmem_shared>> -> memref<10240x32xf32, #tpu.memory_space<vmem_shared>>
        tpu.enqueue_indirect_dma source(%dma_start3A_436 : memref<10240x32xf32, #tpu.memory_space<vmem_shared>>) target(%dma_start3A_430 : memref<128x32xf32, #tpu.memory_space<vmem>>) offsets(%dma_start3A_433 : memref<128xi32, #tpu.memory_space<vmem>>) semaphore(%arg15 : memref<!tpu.dma_semaphore, #tpu.memory_space<semaphore_mem>>)
        %dma_start3A_437 = arith.constant 1 : i32
        %dma_start3A_438 = arith.constant 3 : i32
        %dma_start3A_439 = arith.constant 3 : i32
        %dma_start3A_440 = arith.constant 0 : i32
        %dma_start3A_441 = arith.constant 0 : i32
        %dma_start3A_442 = tpu.memref_slice %arg9[%dma_start3A_439, %dma_start3A_440, %dma_start3A_441] : memref<4x128x32xf32, #tpu.memory_space<vmem>> -> memref<1x128x32xf32, #tpu.memory_space<vmem>>
        %dma_start3A_443 = tpu.memref_squeeze %dma_start3A_442 : memref<1x128x32xf32, #tpu.memory_space<vmem>> -> memref<128x32xf32, #tpu.memory_space<vmem>>
        %dma_start3A_444 = arith.constant 0 : i32
        %dma_start3A_445 = tpu.memref_slice %arg7[%dma_start3A_437, %dma_start3A_438, %dma_start3A_444] : memref<2x4x128xi32, #tpu.memory_space<vmem>> -> memref<1x1x128xi32, #tpu.memory_space<vmem>>
        %dma_start3A_446 = tpu.memref_squeeze %dma_start3A_445 : memref<1x1x128xi32, #tpu.memory_space<vmem>> -> memref<128xi32, #tpu.memory_space<vmem>>
        %dma_start3A_447 = arith.constant 0 : i32
        %dma_start3A_448 = arith.constant 0 : i32
        %dma_start3A_449 = tpu.memref_slice %arg20[%dma_start3A_447, %dma_start3A_448] : memref<10240x32xf32, #tpu.memory_space<vmem_shared>> -> memref<10240x32xf32, #tpu.memory_space<vmem_shared>>
        tpu.enqueue_indirect_dma source(%dma_start3A_449 : memref<10240x32xf32, #tpu.memory_space<vmem_shared>>) target(%dma_start3A_443 : memref<128x32xf32, #tpu.memory_space<vmem>>) offsets(%dma_start3A_446 : memref<128xi32, #tpu.memory_space<vmem>>) semaphore(%arg15 : memref<!tpu.dma_semaphore, #tpu.memory_space<semaphore_mem>>)
        %dma_wait3A_450 = arith.constant 1 : i32
        %dma_wait3A_451 = arith.constant 0 : i32
        %dma_wait3A_452 = arith.constant 0 : i32
        %dma_wait3A_453 = arith.constant 0 : i32
        %dma_wait3A_454 = arith.constant 0 : i32
        %dma_wait3A_455 = tpu.memref_slice %arg9[%dma_wait3A_452, %dma_wait3A_453, %dma_wait3A_454] : memref<4x128x32xf32, #tpu.memory_space<vmem>> -> memref<1x128x32xf32, #tpu.memory_space<vmem>>
        %dma_wait3A_456 = tpu.memref_squeeze %dma_wait3A_455 : memref<1x128x32xf32, #tpu.memory_space<vmem>> -> memref<128x32xf32, #tpu.memory_space<vmem>>
        %dma_wait3A_457 = arith.constant 0 : i32
        %dma_wait3A_458 = tpu.memref_slice %arg7[%dma_wait3A_450, %dma_wait3A_451, %dma_wait3A_457] : memref<2x4x128xi32, #tpu.memory_space<vmem>> -> memref<1x1x128xi32, #tpu.memory_space<vmem>>
        %dma_wait3A_459 = tpu.memref_squeeze %dma_wait3A_458 : memref<1x1x128xi32, #tpu.memory_space<vmem>> -> memref<128xi32, #tpu.memory_space<vmem>>
        %dma_wait3A_460 = arith.constant 0 : i32
        %dma_wait3A_461 = arith.constant 0 : i32
        %dma_wait3A_462 = tpu.memref_slice %arg20[%dma_wait3A_460, %dma_wait3A_461] : memref<10240x32xf32, #tpu.memory_space<vmem_shared>> -> memref<10240x32xf32, #tpu.memory_space<vmem_shared>>
        tpu.wait_indirect_dma semaphore(%arg15 : memref<!tpu.dma_semaphore, #tpu.memory_space<semaphore_mem>>) src(%dma_wait3A_462 : memref<10240x32xf32, #tpu.memory_space<vmem_shared>>) dst(%dma_wait3A_456 : memref<128x32xf32, #tpu.memory_space<vmem>>)
        %dma_start3A_463 = arith.constant 0 : i32
        %dma_start3A_464 = arith.constant 1 : i32
        %dma_start3A_465 = arith.constant 0 : i32
        %dma_start3A_466 = arith.constant 0 : i32
        %dma_start3A_467 = arith.constant 0 : i32
        %dma_start3A_468 = tpu.memref_slice %arg9[%dma_start3A_463, %dma_start3A_466, %dma_start3A_467] : memref<4x128x32xf32, #tpu.memory_space<vmem>> -> memref<1x128x32xf32, #tpu.memory_space<vmem>>
        %dma_start3A_469 = tpu.memref_squeeze %dma_start3A_468 : memref<1x128x32xf32, #tpu.memory_space<vmem>> -> memref<128x32xf32, #tpu.memory_space<vmem>>
        %dma_start3A_470 = arith.constant 0 : i32
        %dma_start3A_471 = tpu.memref_slice %arg8[%dma_start3A_464, %dma_start3A_465, %dma_start3A_470] : memref<2x4x128xi32, #tpu.memory_space<vmem>> -> memref<1x1x128xi32, #tpu.memory_space<vmem>>
        %dma_start3A_472 = tpu.memref_squeeze %dma_start3A_471 : memref<1x1x128xi32, #tpu.memory_space<vmem>> -> memref<128xi32, #tpu.memory_space<vmem>>
        %dma_start3A_473 = arith.constant 0 : i32
        %dma_start3A_474 = arith.constant 0 : i32
        %dma_start3A_475 = tpu.memref_slice %arg19[%dma_start3A_473, %dma_start3A_474] : memref<10240x32xf32, #tpu.memory_space<vmem_shared>> -> memref<10240x32xf32, #tpu.memory_space<vmem_shared>>
        tpu.enqueue_indirect_dma source(%dma_start3A_469 : memref<128x32xf32, #tpu.memory_space<vmem>>) target(%dma_start3A_475 : memref<10240x32xf32, #tpu.memory_space<vmem_shared>>) offsets(%dma_start3A_472 : memref<128xi32, #tpu.memory_space<vmem>>) semaphore(%arg16 : memref<!tpu.dma_semaphore, #tpu.memory_space<semaphore_mem>>) {add = true}
        %dma_wait3A_476 = arith.constant 1 : i32
        %dma_wait3A_477 = arith.constant 1 : i32
        %dma_wait3A_478 = arith.constant 1 : i32
        %dma_wait3A_479 = arith.constant 0 : i32
        %dma_wait3A_480 = arith.constant 0 : i32
        %dma_wait3A_481 = tpu.memref_slice %arg9[%dma_wait3A_478, %dma_wait3A_479, %dma_wait3A_480] : memref<4x128x32xf32, #tpu.memory_space<vmem>> -> memref<1x128x32xf32, #tpu.memory_space<vmem>>
        %dma_wait3A_482 = tpu.memref_squeeze %dma_wait3A_481 : memref<1x128x32xf32, #tpu.memory_space<vmem>> -> memref<128x32xf32, #tpu.memory_space<vmem>>
        %dma_wait3A_483 = arith.constant 0 : i32
        %dma_wait3A_484 = tpu.memref_slice %arg7[%dma_wait3A_476, %dma_wait3A_477, %dma_wait3A_483] : memref<2x4x128xi32, #tpu.memory_space<vmem>> -> memref<1x1x128xi32, #tpu.memory_space<vmem>>
        %dma_wait3A_485 = tpu.memref_squeeze %dma_wait3A_484 : memref<1x1x128xi32, #tpu.memory_space<vmem>> -> memref<128xi32, #tpu.memory_space<vmem>>
        %dma_wait3A_486 = arith.constant 0 : i32
        %dma_wait3A_487 = arith.constant 0 : i32
        %dma_wait3A_488 = tpu.memref_slice %arg20[%dma_wait3A_486, %dma_wait3A_487] : memref<10240x32xf32, #tpu.memory_space<vmem_shared>> -> memref<10240x32xf32, #tpu.memory_space<vmem_shared>>
        tpu.wait_indirect_dma semaphore(%arg15 : memref<!tpu.dma_semaphore, #tpu.memory_space<semaphore_mem>>) src(%dma_wait3A_488 : memref<10240x32xf32, #tpu.memory_space<vmem_shared>>) dst(%dma_wait3A_482 : memref<128x32xf32, #tpu.memory_space<vmem>>)
        %dma_start3A_489 = arith.constant 1 : i32
        %dma_start3A_490 = arith.constant 1 : i32
        %dma_start3A_491 = arith.constant 1 : i32
        %dma_start3A_492 = arith.constant 0 : i32
        %dma_start3A_493 = arith.constant 0 : i32
        %dma_start3A_494 = tpu.memref_slice %arg9[%dma_start3A_489, %dma_start3A_492, %dma_start3A_493] : memref<4x128x32xf32, #tpu.memory_space<vmem>> -> memref<1x128x32xf32, #tpu.memory_space<vmem>>
        %dma_start3A_495 = tpu.memref_squeeze %dma_start3A_494 : memref<1x128x32xf32, #tpu.memory_space<vmem>> -> memref<128x32xf32, #tpu.memory_space<vmem>>
        %dma_start3A_496 = arith.constant 0 : i32
        %dma_start3A_497 = tpu.memref_slice %arg8[%dma_start3A_490, %dma_start3A_491, %dma_start3A_496] : memref<2x4x128xi32, #tpu.memory_space<vmem>> -> memref<1x1x128xi32, #tpu.memory_space<vmem>>
        %dma_start3A_498 = tpu.memref_squeeze %dma_start3A_497 : memref<1x1x128xi32, #tpu.memory_space<vmem>> -> memref<128xi32, #tpu.memory_space<vmem>>
        %dma_start3A_499 = arith.constant 0 : i32
        %dma_start3A_500 = arith.constant 0 : i32
        %dma_start3A_501 = tpu.memref_slice %arg19[%dma_start3A_499, %dma_start3A_500] : memref<10240x32xf32, #tpu.memory_space<vmem_shared>> -> memref<10240x32xf32, #tpu.memory_space<vmem_shared>>
        tpu.enqueue_indirect_dma source(%dma_start3A_495 : memref<128x32xf32, #tpu.memory_space<vmem>>) target(%dma_start3A_501 : memref<10240x32xf32, #tpu.memory_space<vmem_shared>>) offsets(%dma_start3A_498 : memref<128xi32, #tpu.memory_space<vmem>>) semaphore(%arg16 : memref<!tpu.dma_semaphore, #tpu.memory_space<semaphore_mem>>) {add = true}
        %dma_wait3A_502 = arith.constant 1 : i32
        %dma_wait3A_503 = arith.constant 2 : i32
        %dma_wait3A_504 = arith.constant 2 : i32
        %dma_wait3A_505 = arith.constant 0 : i32
        %dma_wait3A_506 = arith.constant 0 : i32
        %dma_wait3A_507 = tpu.memref_slice %arg9[%dma_wait3A_504, %dma_wait3A_505, %dma_wait3A_506] : memref<4x128x32xf32, #tpu.memory_space<vmem>> -> memref<1x128x32xf32, #tpu.memory_space<vmem>>
        %dma_wait3A_508 = tpu.memref_squeeze %dma_wait3A_507 : memref<1x128x32xf32, #tpu.memory_space<vmem>> -> memref<128x32xf32, #tpu.memory_space<vmem>>
        %dma_wait3A_509 = arith.constant 0 : i32
        %dma_wait3A_510 = tpu.memref_slice %arg7[%dma_wait3A_502, %dma_wait3A_503, %dma_wait3A_509] : memref<2x4x128xi32, #tpu.memory_space<vmem>> -> memref<1x1x128xi32, #tpu.memory_space<vmem>>
        %dma_wait3A_511 = tpu.memref_squeeze %dma_wait3A_510 : memref<1x1x128xi32, #tpu.memory_space<vmem>> -> memref<128xi32, #tpu.memory_space<vmem>>
        %dma_wait3A_512 = arith.constant 0 : i32
        %dma_wait3A_513 = arith.constant 0 : i32
        %dma_wait3A_514 = tpu.memref_slice %arg20[%dma_wait3A_512, %dma_wait3A_513] : memref<10240x32xf32, #tpu.memory_space<vmem_shared>> -> memref<10240x32xf32, #tpu.memory_space<vmem_shared>>
        tpu.wait_indirect_dma semaphore(%arg15 : memref<!tpu.dma_semaphore, #tpu.memory_space<semaphore_mem>>) src(%dma_wait3A_514 : memref<10240x32xf32, #tpu.memory_space<vmem_shared>>) dst(%dma_wait3A_508 : memref<128x32xf32, #tpu.memory_space<vmem>>)
        %dma_start3A_515 = arith.constant 2 : i32
        %dma_start3A_516 = arith.constant 1 : i32
        %dma_start3A_517 = arith.constant 2 : i32
        %dma_start3A_518 = arith.constant 0 : i32
        %dma_start3A_519 = arith.constant 0 : i32
        %dma_start3A_520 = tpu.memref_slice %arg9[%dma_start3A_515, %dma_start3A_518, %dma_start3A_519] : memref<4x128x32xf32, #tpu.memory_space<vmem>> -> memref<1x128x32xf32, #tpu.memory_space<vmem>>
        %dma_start3A_521 = tpu.memref_squeeze %dma_start3A_520 : memref<1x128x32xf32, #tpu.memory_space<vmem>> -> memref<128x32xf32, #tpu.memory_space<vmem>>
        %dma_start3A_522 = arith.constant 0 : i32
        %dma_start3A_523 = tpu.memref_slice %arg8[%dma_start3A_516, %dma_start3A_517, %dma_start3A_522] : memref<2x4x128xi32, #tpu.memory_space<vmem>> -> memref<1x1x128xi32, #tpu.memory_space<vmem>>
        %dma_start3A_524 = tpu.memref_squeeze %dma_start3A_523 : memref<1x1x128xi32, #tpu.memory_space<vmem>> -> memref<128xi32, #tpu.memory_space<vmem>>
        %dma_start3A_525 = arith.constant 0 : i32
        %dma_start3A_526 = arith.constant 0 : i32
        %dma_start3A_527 = tpu.memref_slice %arg19[%dma_start3A_525, %dma_start3A_526] : memref<10240x32xf32, #tpu.memory_space<vmem_shared>> -> memref<10240x32xf32, #tpu.memory_space<vmem_shared>>
        tpu.enqueue_indirect_dma source(%dma_start3A_521 : memref<128x32xf32, #tpu.memory_space<vmem>>) target(%dma_start3A_527 : memref<10240x32xf32, #tpu.memory_space<vmem_shared>>) offsets(%dma_start3A_524 : memref<128xi32, #tpu.memory_space<vmem>>) semaphore(%arg16 : memref<!tpu.dma_semaphore, #tpu.memory_space<semaphore_mem>>) {add = true}
        %dma_wait3A_528 = arith.constant 1 : i32
        %dma_wait3A_529 = arith.constant 3 : i32
        %dma_wait3A_530 = arith.constant 3 : i32
        %dma_wait3A_531 = arith.constant 0 : i32
        %dma_wait3A_532 = arith.constant 0 : i32
        %dma_wait3A_533 = tpu.memref_slice %arg9[%dma_wait3A_530, %dma_wait3A_531, %dma_wait3A_532] : memref<4x128x32xf32, #tpu.memory_space<vmem>> -> memref<1x128x32xf32, #tpu.memory_space<vmem>>
        %dma_wait3A_534 = tpu.memref_squeeze %dma_wait3A_533 : memref<1x128x32xf32, #tpu.memory_space<vmem>> -> memref<128x32xf32, #tpu.memory_space<vmem>>
        %dma_wait3A_535 = arith.constant 0 : i32
        %dma_wait3A_536 = tpu.memref_slice %arg7[%dma_wait3A_528, %dma_wait3A_529, %dma_wait3A_535] : memref<2x4x128xi32, #tpu.memory_space<vmem>> -> memref<1x1x128xi32, #tpu.memory_space<vmem>>
        %dma_wait3A_537 = tpu.memref_squeeze %dma_wait3A_536 : memref<1x1x128xi32, #tpu.memory_space<vmem>> -> memref<128xi32, #tpu.memory_space<vmem>>
        %dma_wait3A_538 = arith.constant 0 : i32
        %dma_wait3A_539 = arith.constant 0 : i32
        %dma_wait3A_540 = tpu.memref_slice %arg20[%dma_wait3A_538, %dma_wait3A_539] : memref<10240x32xf32, #tpu.memory_space<vmem_shared>> -> memref<10240x32xf32, #tpu.memory_space<vmem_shared>>
        tpu.wait_indirect_dma semaphore(%arg15 : memref<!tpu.dma_semaphore, #tpu.memory_space<semaphore_mem>>) src(%dma_wait3A_540 : memref<10240x32xf32, #tpu.memory_space<vmem_shared>>) dst(%dma_wait3A_534 : memref<128x32xf32, #tpu.memory_space<vmem>>)
        %dma_start3A_541 = arith.constant 3 : i32
        %dma_start3A_542 = arith.constant 1 : i32
        %dma_start3A_543 = arith.constant 3 : i32
        %dma_start3A_544 = arith.constant 0 : i32
        %dma_start3A_545 = arith.constant 0 : i32
        %dma_start3A_546 = tpu.memref_slice %arg9[%dma_start3A_541, %dma_start3A_544, %dma_start3A_545] : memref<4x128x32xf32, #tpu.memory_space<vmem>> -> memref<1x128x32xf32, #tpu.memory_space<vmem>>
        %dma_start3A_547 = tpu.memref_squeeze %dma_start3A_546 : memref<1x128x32xf32, #tpu.memory_space<vmem>> -> memref<128x32xf32, #tpu.memory_space<vmem>>
        %dma_start3A_548 = arith.constant 0 : i32
        %dma_start3A_549 = tpu.memref_slice %arg8[%dma_start3A_542, %dma_start3A_543, %dma_start3A_548] : memref<2x4x128xi32, #tpu.memory_space<vmem>> -> memref<1x1x128xi32, #tpu.memory_space<vmem>>
        %dma_start3A_550 = tpu.memref_squeeze %dma_start3A_549 : memref<1x1x128xi32, #tpu.memory_space<vmem>> -> memref<128xi32, #tpu.memory_space<vmem>>
        %dma_start3A_551 = arith.constant 0 : i32
        %dma_start3A_552 = arith.constant 0 : i32
        %dma_start3A_553 = tpu.memref_slice %arg19[%dma_start3A_551, %dma_start3A_552] : memref<10240x32xf32, #tpu.memory_space<vmem_shared>> -> memref<10240x32xf32, #tpu.memory_space<vmem_shared>>
        tpu.enqueue_indirect_dma source(%dma_start3A_547 : memref<128x32xf32, #tpu.memory_space<vmem>>) target(%dma_start3A_553 : memref<10240x32xf32, #tpu.memory_space<vmem_shared>>) offsets(%dma_start3A_550 : memref<128xi32, #tpu.memory_space<vmem>>) semaphore(%arg16 : memref<!tpu.dma_semaphore, #tpu.memory_space<semaphore_mem>>) {add = true}
        %dma_wait3A_554 = arith.constant 0 : i32
        %dma_wait3A_555 = arith.constant 1 : i32
        %dma_wait3A_556 = arith.constant 0 : i32
        %dma_wait3A_557 = arith.constant 0 : i32
        %dma_wait3A_558 = arith.constant 0 : i32
        %dma_wait3A_559 = tpu.memref_slice %arg9[%dma_wait3A_554, %dma_wait3A_557, %dma_wait3A_558] : memref<4x128x32xf32, #tpu.memory_space<vmem>> -> memref<1x128x32xf32, #tpu.memory_space<vmem>>
        %dma_wait3A_560 = tpu.memref_squeeze %dma_wait3A_559 : memref<1x128x32xf32, #tpu.memory_space<vmem>> -> memref<128x32xf32, #tpu.memory_space<vmem>>
        %dma_wait3A_561 = arith.constant 0 : i32
        %dma_wait3A_562 = tpu.memref_slice %arg8[%dma_wait3A_555, %dma_wait3A_556, %dma_wait3A_561] : memref<2x4x128xi32, #tpu.memory_space<vmem>> -> memref<1x1x128xi32, #tpu.memory_space<vmem>>
        %dma_wait3A_563 = tpu.memref_squeeze %dma_wait3A_562 : memref<1x1x128xi32, #tpu.memory_space<vmem>> -> memref<128xi32, #tpu.memory_space<vmem>>
        %dma_wait3A_564 = arith.constant 0 : i32
        %dma_wait3A_565 = arith.constant 0 : i32
        %dma_wait3A_566 = tpu.memref_slice %arg19[%dma_wait3A_564, %dma_wait3A_565] : memref<10240x32xf32, #tpu.memory_space<vmem_shared>> -> memref<10240x32xf32, #tpu.memory_space<vmem_shared>>
        tpu.wait_indirect_dma semaphore(%arg16 : memref<!tpu.dma_semaphore, #tpu.memory_space<semaphore_mem>>) src(%dma_wait3A_560 : memref<128x32xf32, #tpu.memory_space<vmem>>) dst(%dma_wait3A_566 : memref<10240x32xf32, #tpu.memory_space<vmem_shared>>)
        %dma_wait3A_567 = arith.constant 1 : i32
        %dma_wait3A_568 = arith.constant 1 : i32
        %dma_wait3A_569 = arith.constant 1 : i32
        %dma_wait3A_570 = arith.constant 0 : i32
        %dma_wait3A_571 = arith.constant 0 : i32
        %dma_wait3A_572 = tpu.memref_slice %arg9[%dma_wait3A_567, %dma_wait3A_570, %dma_wait3A_571] : memref<4x128x32xf32, #tpu.memory_space<vmem>> -> memref<1x128x32xf32, #tpu.memory_space<vmem>>
        %dma_wait3A_573 = tpu.memref_squeeze %dma_wait3A_572 : memref<1x128x32xf32, #tpu.memory_space<vmem>> -> memref<128x32xf32, #tpu.memory_space<vmem>>
        %dma_wait3A_574 = arith.constant 0 : i32
        %dma_wait3A_575 = tpu.memref_slice %arg8[%dma_wait3A_568, %dma_wait3A_569, %dma_wait3A_574] : memref<2x4x128xi32, #tpu.memory_space<vmem>> -> memref<1x1x128xi32, #tpu.memory_space<vmem>>
        %dma_wait3A_576 = tpu.memref_squeeze %dma_wait3A_575 : memref<1x1x128xi32, #tpu.memory_space<vmem>> -> memref<128xi32, #tpu.memory_space<vmem>>
        %dma_wait3A_577 = arith.constant 0 : i32
        %dma_wait3A_578 = arith.constant 0 : i32
        %dma_wait3A_579 = tpu.memref_slice %arg19[%dma_wait3A_577, %dma_wait3A_578] : memref<10240x32xf32, #tpu.memory_space<vmem_shared>> -> memref<10240x32xf32, #tpu.memory_space<vmem_shared>>
        tpu.wait_indirect_dma semaphore(%arg16 : memref<!tpu.dma_semaphore, #tpu.memory_space<semaphore_mem>>) src(%dma_wait3A_573 : memref<128x32xf32, #tpu.memory_space<vmem>>) dst(%dma_wait3A_579 : memref<10240x32xf32, #tpu.memory_space<vmem_shared>>)
        %dma_wait3A_580 = arith.constant 2 : i32
        %dma_wait3A_581 = arith.constant 1 : i32
        %dma_wait3A_582 = arith.constant 2 : i32
        %dma_wait3A_583 = arith.constant 0 : i32
        %dma_wait3A_584 = arith.constant 0 : i32
        %dma_wait3A_585 = tpu.memref_slice %arg9[%dma_wait3A_580, %dma_wait3A_583, %dma_wait3A_584] : memref<4x128x32xf32, #tpu.memory_space<vmem>> -> memref<1x128x32xf32, #tpu.memory_space<vmem>>
        %dma_wait3A_586 = tpu.memref_squeeze %dma_wait3A_585 : memref<1x128x32xf32, #tpu.memory_space<vmem>> -> memref<128x32xf32, #tpu.memory_space<vmem>>
        %dma_wait3A_587 = arith.constant 0 : i32
        %dma_wait3A_588 = tpu.memref_slice %arg8[%dma_wait3A_581, %dma_wait3A_582, %dma_wait3A_587] : memref<2x4x128xi32, #tpu.memory_space<vmem>> -> memref<1x1x128xi32, #tpu.memory_space<vmem>>
        %dma_wait3A_589 = tpu.memref_squeeze %dma_wait3A_588 : memref<1x1x128xi32, #tpu.memory_space<vmem>> -> memref<128xi32, #tpu.memory_space<vmem>>
        %dma_wait3A_590 = arith.constant 0 : i32
        %dma_wait3A_591 = arith.constant 0 : i32
        %dma_wait3A_592 = tpu.memref_slice %arg19[%dma_wait3A_590, %dma_wait3A_591] : memref<10240x32xf32, #tpu.memory_space<vmem_shared>> -> memref<10240x32xf32, #tpu.memory_space<vmem_shared>>
        tpu.wait_indirect_dma semaphore(%arg16 : memref<!tpu.dma_semaphore, #tpu.memory_space<semaphore_mem>>) src(%dma_wait3A_586 : memref<128x32xf32, #tpu.memory_space<vmem>>) dst(%dma_wait3A_592 : memref<10240x32xf32, #tpu.memory_space<vmem_shared>>)
        %dma_wait3A_593 = arith.constant 3 : i32
        %dma_wait3A_594 = arith.constant 1 : i32
        %dma_wait3A_595 = arith.constant 3 : i32
        %dma_wait3A_596 = arith.constant 0 : i32
        %dma_wait3A_597 = arith.constant 0 : i32
        %dma_wait3A_598 = tpu.memref_slice %arg9[%dma_wait3A_593, %dma_wait3A_596, %dma_wait3A_597] : memref<4x128x32xf32, #tpu.memory_space<vmem>> -> memref<1x128x32xf32, #tpu.memory_space<vmem>>
        %dma_wait3A_599 = tpu.memref_squeeze %dma_wait3A_598 : memref<1x128x32xf32, #tpu.memory_space<vmem>> -> memref<128x32xf32, #tpu.memory_space<vmem>>
        %dma_wait3A_600 = arith.constant 0 : i32
        %dma_wait3A_601 = tpu.memref_slice %arg8[%dma_wait3A_594, %dma_wait3A_595, %dma_wait3A_600] : memref<2x4x128xi32, #tpu.memory_space<vmem>> -> memref<1x1x128xi32, #tpu.memory_space<vmem>>
        %dma_wait3A_602 = tpu.memref_squeeze %dma_wait3A_601 : memref<1x1x128xi32, #tpu.memory_space<vmem>> -> memref<128xi32, #tpu.memory_space<vmem>>
        %dma_wait3A_603 = arith.constant 0 : i32
        %dma_wait3A_604 = arith.constant 0 : i32
        %dma_wait3A_605 = tpu.memref_slice %arg19[%dma_wait3A_603, %dma_wait3A_604] : memref<10240x32xf32, #tpu.memory_space<vmem_shared>> -> memref<10240x32xf32, #tpu.memory_space<vmem_shared>>
        tpu.wait_indirect_dma semaphore(%arg16 : memref<!tpu.dma_semaphore, #tpu.memory_space<semaphore_mem>>) src(%dma_wait3A_599 : memref<128x32xf32, #tpu.memory_space<vmem>>) dst(%dma_wait3A_605 : memref<10240x32xf32, #tpu.memory_space<vmem_shared>>)
      }
      %scan3A_63 = arith.constant 20 : i32
      %barrier3A_64 = arith.constant 0 : index
      tpu.barrier barrier_id(%barrier3A_64)
      %add3A_65 = arith.constant 0 : i32
      %add3A_66 = arith.addi %mul3A_0, %add3A_65 : i32
      "tpu.region"() ({
        %run_scoped3A = tpu.sem_alloc : memref<!tpu.dma_semaphore, #tpu.memory_space<semaphore_mem>>
        %dma_start3A_98 = arith.constant 0 : i32
        %dma_start3A_99 = tpu.memref_slice %arg19[%add3A_66, %dma_start3A_98] : memref<10240x32xf32, #tpu.memory_space<vmem_shared>> -> memref<320x32xf32, #tpu.memory_space<vmem_shared>>
        %dma_start3A_100 = arith.constant 0 : i32
        %dma_start3A_101 = tpu.memref_slice %arg19[%add3A_66, %dma_start3A_100] : memref<10240x32xf32, #tpu.memory_space<vmem_shared>> -> memref<320x32xf32, #tpu.memory_space<vmem_shared>>
        tpu.enqueue_dma source(%dma_start3A_101 : memref<320x32xf32, #tpu.memory_space<vmem_shared>>) target(%arg11 : memref<320x32xf32, #tpu.memory_space<vmem>>) target_semaphore(%run_scoped3A : memref<!tpu.dma_semaphore, #tpu.memory_space<semaphore_mem>>)
        %dma_wait3A = arith.constant 0 : i32
        %dma_wait3A_102 = tpu.memref_slice %arg19[%add3A_66, %dma_wait3A] : memref<10240x32xf32, #tpu.memory_space<vmem_shared>> -> memref<320x32xf32, #tpu.memory_space<vmem_shared>>
        %dma_wait3A_103 = arith.constant 0 : i32
        %dma_wait3A_104 = tpu.memref_slice %arg19[%add3A_66, %dma_wait3A_103] : memref<10240x32xf32, #tpu.memory_space<vmem_shared>> -> memref<320x32xf32, #tpu.memory_space<vmem_shared>>
        tpu.wait_dma2 semaphore(%run_scoped3A : memref<!tpu.dma_semaphore, #tpu.memory_space<semaphore_mem>>) src(%dma_wait3A_104 : memref<320x32xf32, #tpu.memory_space<vmem_shared>>) dst(%arg11 : memref<320x32xf32, #tpu.memory_space<vmem>>)
        tpu.yield
      }) : () -> ()
      %add3A_67 = arith.constant 0 : i32
      %add3A_68 = arith.addi %mul3A_0, %add3A_67 : i32
      %add3A_69 = arith.constant 0 : i32
      %add3A_70 = arith.addi %add3A_68, %add3A_69 : i32
      "tpu.region"() ({
        %run_scoped3A = tpu.sem_alloc : memref<!tpu.dma_semaphore, #tpu.memory_space<semaphore_mem>>
        %dma_start3A_98 = arith.constant 0 : i32
        %dma_start3A_99 = tpu.memref_slice %arg19[%add3A_70, %dma_start3A_98] : memref<10240x32xf32, #tpu.memory_space<vmem_shared>> -> memref<160x32xf32, #tpu.memory_space<vmem_shared>>
        %dma_start3A_100 = arith.constant 0 : i32
        %dma_start3A_101 = tpu.memref_slice %arg19[%add3A_70, %dma_start3A_100] : memref<10240x32xf32, #tpu.memory_space<vmem_shared>> -> memref<160x32xf32, #tpu.memory_space<vmem_shared>>
        tpu.enqueue_dma source(%arg10 : memref<160x32xf32, #tpu.memory_space<vmem>>) target(%dma_start3A_101 : memref<160x32xf32, #tpu.memory_space<vmem_shared>>) target_semaphore(%run_scoped3A : memref<!tpu.dma_semaphore, #tpu.memory_space<semaphore_mem>>)
        %dma_wait3A = arith.constant 0 : i32
        %dma_wait3A_102 = tpu.memref_slice %arg19[%add3A_70, %dma_wait3A] : memref<10240x32xf32, #tpu.memory_space<vmem_shared>> -> memref<160x32xf32, #tpu.memory_space<vmem_shared>>
        %dma_wait3A_103 = arith.constant 0 : i32
        %dma_wait3A_104 = tpu.memref_slice %arg19[%add3A_70, %dma_wait3A_103] : memref<10240x32xf32, #tpu.memory_space<vmem_shared>> -> memref<160x32xf32, #tpu.memory_space<vmem_shared>>
        tpu.wait_dma2 semaphore(%run_scoped3A : memref<!tpu.dma_semaphore, #tpu.memory_space<semaphore_mem>>) src(%arg10 : memref<160x32xf32, #tpu.memory_space<vmem>>) dst(%dma_wait3A_104 : memref<160x32xf32, #tpu.memory_space<vmem_shared>>)
        tpu.yield
      }) : () -> ()
      %add3A_71 = arith.constant 0 : i32
      %add3A_72 = arith.addi %mul3A_0, %add3A_71 : i32
      %add3A_73 = arith.constant 160 : i32
      %add3A_74 = arith.addi %add3A_72, %add3A_73 : i32
      "tpu.region"() ({
        %run_scoped3A = tpu.sem_alloc : memref<!tpu.dma_semaphore, #tpu.memory_space<semaphore_mem>>
        %dma_start3A_98 = arith.constant 0 : i32
        %dma_start3A_99 = tpu.memref_slice %arg19[%add3A_74, %dma_start3A_98] : memref<10240x32xf32, #tpu.memory_space<vmem_shared>> -> memref<160x32xf32, #tpu.memory_space<vmem_shared>>
        %dma_start3A_100 = arith.constant 0 : i32
        %dma_start3A_101 = tpu.memref_slice %arg19[%add3A_74, %dma_start3A_100] : memref<10240x32xf32, #tpu.memory_space<vmem_shared>> -> memref<160x32xf32, #tpu.memory_space<vmem_shared>>
        tpu.enqueue_dma source(%arg10 : memref<160x32xf32, #tpu.memory_space<vmem>>) target(%dma_start3A_101 : memref<160x32xf32, #tpu.memory_space<vmem_shared>>) target_semaphore(%run_scoped3A : memref<!tpu.dma_semaphore, #tpu.memory_space<semaphore_mem>>)
        %dma_wait3A = arith.constant 0 : i32
        %dma_wait3A_102 = tpu.memref_slice %arg19[%add3A_74, %dma_wait3A] : memref<10240x32xf32, #tpu.memory_space<vmem_shared>> -> memref<160x32xf32, #tpu.memory_space<vmem_shared>>
        %dma_wait3A_103 = arith.constant 0 : i32
        %dma_wait3A_104 = tpu.memref_slice %arg19[%add3A_74, %dma_wait3A_103] : memref<10240x32xf32, #tpu.memory_space<vmem_shared>> -> memref<160x32xf32, #tpu.memory_space<vmem_shared>>
        tpu.wait_dma2 semaphore(%run_scoped3A : memref<!tpu.dma_semaphore, #tpu.memory_space<semaphore_mem>>) src(%arg10 : memref<160x32xf32, #tpu.memory_space<vmem>>) dst(%dma_wait3A_104 : memref<160x32xf32, #tpu.memory_space<vmem_shared>>)
        tpu.yield
      }) : () -> ()
      %scan3A_75 = arith.constant 0 : i32
      %scan3A_76 = arith.constant 0 : i32
      %scan3A_77 = arith.constant 320 : i32
      %scan3A_78 = arith.addi %scan3A_76, %scan3A_77 : i32
      %scan3A_79 = arith.constant 1 : i32
      scf.for %scan3A_98 = %scan3A_76 to %scan3A_78 step %scan3A_79  : i32 {
        %add3A_99 = arith.constant 0 : i32
        %add3A_100 = arith.addi %add3A_99, %scan3A_98 : i32
        %get3A = arith.index_cast %add3A_100 : i32 to index
        %get3A_101 = arith.constant 0 : index
        %get3A_102 = tpu.vector_load %arg13[%get3A, %get3A_101] {strides = array<i32>} : memref<640x16xf32, #tpu.memory_space<vmem>>, vector<1x16xf32>,
        %get3A_103 = vector.shape_cast %get3A_102 : vector<1x16xf32> to vector<16xf32>
        %get3A_104 = arith.index_cast %scan3A_98 : i32 to index
        %get3A_105 = arith.constant 0 : index
        %get3A_106 = tpu.vector_load %arg11[%get3A_104, %get3A_105] {strides = array<i32>} : memref<320x32xf32, #tpu.memory_space<vmem>>, vector<1x16xf32>,
        %get3A_107 = vector.shape_cast %get3A_106 : vector<1x16xf32> to vector<16xf32>
        %get3A_108 = arith.index_cast %add3A_100 : i32 to index
        %get3A_109 = arith.constant 0 : index
        %get3A_110 = tpu.vector_load %arg12[%get3A_108, %get3A_109] {strides = array<i32>} : memref<640x32xf32, #tpu.memory_space<vmem>>, vector<1x16xf32>,
        %get3A_111 = vector.shape_cast %get3A_110 : vector<1x16xf32> to vector<16xf32>
        %add3A_112 = arith.addf %get3A_107, %get3A_111 : vector<16xf32>
        %mul3A_113 = arith.mulf %get3A_103, %add3A_112 : vector<16xf32>
        %get3A_114 = arith.index_cast %add3A_100 : i32 to index
        %get3A_115 = arith.constant 0 : index
        %get3A_116 = tpu.vector_load %arg14[%get3A_114, %get3A_115] {strides = array<i32>} : memref<640x32xf32, #tpu.memory_space<vmem>>, vector<1x16xf32>,
        %get3A_117 = vector.shape_cast %get3A_116 : vector<1x16xf32> to vector<16xf32>
        %add3A_118 = arith.addf %mul3A_113, %get3A_117 : vector<16xf32>
        %swap3A = arith.index_cast %add3A_100 : i32 to index
        %swap3A_119 = arith.constant 0 : index
        %swap3A_120 = tpu.vector_load %arg12[%swap3A, %swap3A_119] {strides = array<i32>} : memref<640x32xf32, #tpu.memory_space<vmem>>, vector<1x16xf32>,
        %swap3A_121 = vector.shape_cast %swap3A_120 : vector<1x16xf32> to vector<16xf32>
        %swap3A_122 = vector.shape_cast %add3A_118 : vector<16xf32> to vector<1x16xf32>
        tpu.vector_store %arg12[%swap3A, %swap3A_119], %swap3A_122 {strides = array<i32>} : memref<640x32xf32, #tpu.memory_space<vmem>>, vector<1x16xf32>,
        %get3A_123 = arith.index_cast %scan3A_98 : i32 to index
        %get3A_124 = arith.constant 16 : index
        %get3A_125 = tpu.vector_load %arg11[%get3A_123, %get3A_124] {strides = array<i32>} : memref<320x32xf32, #tpu.memory_space<vmem>>, vector<1x16xf32>,
        %get3A_126 = vector.shape_cast %get3A_125 : vector<1x16xf32> to vector<16xf32>
        %get3A_127 = arith.index_cast %add3A_100 : i32 to index
        %get3A_128 = arith.constant 16 : index
        %get3A_129 = tpu.vector_load %arg12[%get3A_127, %get3A_128] {strides = array<i32>} : memref<640x32xf32, #tpu.memory_space<vmem>>, vector<1x16xf32>,
        %get3A_130 = vector.shape_cast %get3A_129 : vector<1x16xf32> to vector<16xf32>
        %add3A_131 = arith.addf %get3A_126, %get3A_130 : vector<16xf32>
        %mul3A_132 = arith.mulf %get3A_103, %add3A_131 : vector<16xf32>
        %get3A_133 = arith.index_cast %add3A_100 : i32 to index
        %get3A_134 = arith.constant 16 : index
        %get3A_135 = tpu.vector_load %arg14[%get3A_133, %get3A_134] {strides = array<i32>} : memref<640x32xf32, #tpu.memory_space<vmem>>, vector<1x16xf32>,
        %get3A_136 = vector.shape_cast %get3A_135 : vector<1x16xf32> to vector<16xf32>
        %add3A_137 = arith.addf %mul3A_132, %get3A_136 : vector<16xf32>
        %swap3A_138 = arith.index_cast %add3A_100 : i32 to index
        %swap3A_139 = arith.constant 16 : index
        %swap3A_140 = tpu.vector_load %arg12[%swap3A_138, %swap3A_139] {strides = array<i32>} : memref<640x32xf32, #tpu.memory_space<vmem>>, vector<1x16xf32>,
        %swap3A_141 = vector.shape_cast %swap3A_140 : vector<1x16xf32> to vector<16xf32>
        %swap3A_142 = vector.shape_cast %add3A_137 : vector<16xf32> to vector<1x16xf32>
        tpu.vector_store %arg12[%swap3A_138, %swap3A_139], %swap3A_142 {strides = array<i32>} : memref<640x32xf32, #tpu.memory_space<vmem>>, vector<1x16xf32>,
      }
      %scan3A_80 = arith.constant 320 : i32
      %add3A_81 = arith.constant 320 : i32
      %add3A_82 = arith.addi %mul3A_0, %add3A_81 : i32
      "tpu.region"() ({
        %run_scoped3A = tpu.sem_alloc : memref<!tpu.dma_semaphore, #tpu.memory_space<semaphore_mem>>
        %dma_start3A_98 = arith.constant 0 : i32
        %dma_start3A_99 = tpu.memref_slice %arg19[%add3A_82, %dma_start3A_98] : memref<10240x32xf32, #tpu.memory_space<vmem_shared>> -> memref<320x32xf32, #tpu.memory_space<vmem_shared>>
        %dma_start3A_100 = arith.constant 0 : i32
        %dma_start3A_101 = tpu.memref_slice %arg19[%add3A_82, %dma_start3A_100] : memref<10240x32xf32, #tpu.memory_space<vmem_shared>> -> memref<320x32xf32, #tpu.memory_space<vmem_shared>>
        tpu.enqueue_dma source(%dma_start3A_101 : memref<320x32xf32, #tpu.memory_space<vmem_shared>>) target(%arg11 : memref<320x32xf32, #tpu.memory_space<vmem>>) target_semaphore(%run_scoped3A : memref<!tpu.dma_semaphore, #tpu.memory_space<semaphore_mem>>)
        %dma_wait3A = arith.constant 0 : i32
        %dma_wait3A_102 = tpu.memref_slice %arg19[%add3A_82, %dma_wait3A] : memref<10240x32xf32, #tpu.memory_space<vmem_shared>> -> memref<320x32xf32, #tpu.memory_space<vmem_shared>>
        %dma_wait3A_103 = arith.constant 0 : i32
        %dma_wait3A_104 = tpu.memref_slice %arg19[%add3A_82, %dma_wait3A_103] : memref<10240x32xf32, #tpu.memory_space<vmem_shared>> -> memref<320x32xf32, #tpu.memory_space<vmem_shared>>
        tpu.wait_dma2 semaphore(%run_scoped3A : memref<!tpu.dma_semaphore, #tpu.memory_space<semaphore_mem>>) src(%dma_wait3A_104 : memref<320x32xf32, #tpu.memory_space<vmem_shared>>) dst(%arg11 : memref<320x32xf32, #tpu.memory_space<vmem>>)
        tpu.yield
      }) : () -> ()
      %add3A_83 = arith.constant 320 : i32
      %add3A_84 = arith.addi %mul3A_0, %add3A_83 : i32
      %add3A_85 = arith.constant 0 : i32
      %add3A_86 = arith.addi %add3A_84, %add3A_85 : i32
      "tpu.region"() ({
        %run_scoped3A = tpu.sem_alloc : memref<!tpu.dma_semaphore, #tpu.memory_space<semaphore_mem>>
        %dma_start3A_98 = arith.constant 0 : i32
        %dma_start3A_99 = tpu.memref_slice %arg19[%add3A_86, %dma_start3A_98] : memref<10240x32xf32, #tpu.memory_space<vmem_shared>> -> memref<160x32xf32, #tpu.memory_space<vmem_shared>>
        %dma_start3A_100 = arith.constant 0 : i32
        %dma_start3A_101 = tpu.memref_slice %arg19[%add3A_86, %dma_start3A_100] : memref<10240x32xf32, #tpu.memory_space<vmem_shared>> -> memref<160x32xf32, #tpu.memory_space<vmem_shared>>
        tpu.enqueue_dma source(%arg10 : memref<160x32xf32, #tpu.memory_space<vmem>>) target(%dma_start3A_101 : memref<160x32xf32, #tpu.memory_space<vmem_shared>>) target_semaphore(%run_scoped3A : memref<!tpu.dma_semaphore, #tpu.memory_space<semaphore_mem>>)
        %dma_wait3A = arith.constant 0 : i32
        %dma_wait3A_102 = tpu.memref_slice %arg19[%add3A_86, %dma_wait3A] : memref<10240x32xf32, #tpu.memory_space<vmem_shared>> -> memref<160x32xf32, #tpu.memory_space<vmem_shared>>
        %dma_wait3A_103 = arith.constant 0 : i32
        %dma_wait3A_104 = tpu.memref_slice %arg19[%add3A_86, %dma_wait3A_103] : memref<10240x32xf32, #tpu.memory_space<vmem_shared>> -> memref<160x32xf32, #tpu.memory_space<vmem_shared>>
        tpu.wait_dma2 semaphore(%run_scoped3A : memref<!tpu.dma_semaphore, #tpu.memory_space<semaphore_mem>>) src(%arg10 : memref<160x32xf32, #tpu.memory_space<vmem>>) dst(%dma_wait3A_104 : memref<160x32xf32, #tpu.memory_space<vmem_shared>>)
        tpu.yield
      }) : () -> ()
      %add3A_87 = arith.constant 320 : i32
      %add3A_88 = arith.addi %mul3A_0, %add3A_87 : i32
      %add3A_89 = arith.constant 160 : i32
      %add3A_90 = arith.addi %add3A_88, %add3A_89 : i32
      "tpu.region"() ({
        %run_scoped3A = tpu.sem_alloc : memref<!tpu.dma_semaphore, #tpu.memory_space<semaphore_mem>>
        %dma_start3A_98 = arith.constant 0 : i32
        %dma_start3A_99 = tpu.memref_slice %arg19[%add3A_90, %dma_start3A_98] : memref<10240x32xf32, #tpu.memory_space<vmem_shared>> -> memref<160x32xf32, #tpu.memory_space<vmem_shared>>
        %dma_start3A_100 = arith.constant 0 : i32
        %dma_start3A_101 = tpu.memref_slice %arg19[%add3A_90, %dma_start3A_100] : memref<10240x32xf32, #tpu.memory_space<vmem_shared>> -> memref<160x32xf32, #tpu.memory_space<vmem_shared>>
        tpu.enqueue_dma source(%arg10 : memref<160x32xf32, #tpu.memory_space<vmem>>) target(%dma_start3A_101 : memref<160x32xf32, #tpu.memory_space<vmem_shared>>) target_semaphore(%run_scoped3A : memref<!tpu.dma_semaphore, #tpu.memory_space<semaphore_mem>>)
        %dma_wait3A = arith.constant 0 : i32
        %dma_wait3A_102 = tpu.memref_slice %arg19[%add3A_90, %dma_wait3A] : memref<10240x32xf32, #tpu.memory_space<vmem_shared>> -> memref<160x32xf32, #tpu.memory_space<vmem_shared>>
        %dma_wait3A_103 = arith.constant 0 : i32
        %dma_wait3A_104 = tpu.memref_slice %arg19[%add3A_90, %dma_wait3A_103] : memref<10240x32xf32, #tpu.memory_space<vmem_shared>> -> memref<160x32xf32, #tpu.memory_space<vmem_shared>>
        tpu.wait_dma2 semaphore(%run_scoped3A : memref<!tpu.dma_semaphore, #tpu.memory_space<semaphore_mem>>) src(%arg10 : memref<160x32xf32, #tpu.memory_space<vmem>>) dst(%dma_wait3A_104 : memref<160x32xf32, #tpu.memory_space<vmem_shared>>)
        tpu.yield
      }) : () -> ()
      %scan3A_91 = arith.constant 0 : i32
      %scan3A_92 = arith.constant 0 : i32
      %scan3A_93 = arith.constant 320 : i32
      %scan3A_94 = arith.addi %scan3A_92, %scan3A_93 : i32
      %scan3A_95 = arith.constant 1 : i32
      scf.for %scan3A_98 = %scan3A_92 to %scan3A_94 step %scan3A_95  : i32 {
        %add3A_99 = arith.constant 320 : i32
        %add3A_100 = arith.addi %add3A_99, %scan3A_98 : i32
        %get3A = arith.index_cast %add3A_100 : i32 to index
        %get3A_101 = arith.constant 0 : index
        %get3A_102 = tpu.vector_load %arg13[%get3A, %get3A_101] {strides = array<i32>} : memref<640x16xf32, #tpu.memory_space<vmem>>, vector<1x16xf32>,
        %get3A_103 = vector.shape_cast %get3A_102 : vector<1x16xf32> to vector<16xf32>
        %get3A_104 = arith.index_cast %scan3A_98 : i32 to index
        %get3A_105 = arith.constant 0 : index
        %get3A_106 = tpu.vector_load %arg11[%get3A_104, %get3A_105] {strides = array<i32>} : memref<320x32xf32, #tpu.memory_space<vmem>>, vector<1x16xf32>,
        %get3A_107 = vector.shape_cast %get3A_106 : vector<1x16xf32> to vector<16xf32>
        %get3A_108 = arith.index_cast %add3A_100 : i32 to index
        %get3A_109 = arith.constant 0 : index
        %get3A_110 = tpu.vector_load %arg12[%get3A_108, %get3A_109] {strides = array<i32>} : memref<640x32xf32, #tpu.memory_space<vmem>>, vector<1x16xf32>,
        %get3A_111 = vector.shape_cast %get3A_110 : vector<1x16xf32> to vector<16xf32>
        %add3A_112 = arith.addf %get3A_107, %get3A_111 : vector<16xf32>
        %mul3A_113 = arith.mulf %get3A_103, %add3A_112 : vector<16xf32>
        %get3A_114 = arith.index_cast %add3A_100 : i32 to index
        %get3A_115 = arith.constant 0 : index
        %get3A_116 = tpu.vector_load %arg14[%get3A_114, %get3A_115] {strides = array<i32>} : memref<640x32xf32, #tpu.memory_space<vmem>>, vector<1x16xf32>,
        %get3A_117 = vector.shape_cast %get3A_116 : vector<1x16xf32> to vector<16xf32>
        %add3A_118 = arith.addf %mul3A_113, %get3A_117 : vector<16xf32>
        %swap3A = arith.index_cast %add3A_100 : i32 to index
        %swap3A_119 = arith.constant 0 : index
        %swap3A_120 = tpu.vector_load %arg12[%swap3A, %swap3A_119] {strides = array<i32>} : memref<640x32xf32, #tpu.memory_space<vmem>>, vector<1x16xf32>,
        %swap3A_121 = vector.shape_cast %swap3A_120 : vector<1x16xf32> to vector<16xf32>
        %swap3A_122 = vector.shape_cast %add3A_118 : vector<16xf32> to vector<1x16xf32>
        tpu.vector_store %arg12[%swap3A, %swap3A_119], %swap3A_122 {strides = array<i32>} : memref<640x32xf32, #tpu.memory_space<vmem>>, vector<1x16xf32>,
        %get3A_123 = arith.index_cast %scan3A_98 : i32 to index
        %get3A_124 = arith.constant 16 : index
        %get3A_125 = tpu.vector_load %arg11[%get3A_123, %get3A_124] {strides = array<i32>} : memref<320x32xf32, #tpu.memory_space<vmem>>, vector<1x16xf32>,
        %get3A_126 = vector.shape_cast %get3A_125 : vector<1x16xf32> to vector<16xf32>
        %get3A_127 = arith.index_cast %add3A_100 : i32 to index
        %get3A_128 = arith.constant 16 : index
        %get3A_129 = tpu.vector_load %arg12[%get3A_127, %get3A_128] {strides = array<i32>} : memref<640x32xf32, #tpu.memory_space<vmem>>, vector<1x16xf32>,
        %get3A_130 = vector.shape_cast %get3A_129 : vector<1x16xf32> to vector<16xf32>
        %add3A_131 = arith.addf %get3A_126, %get3A_130 : vector<16xf32>
        %mul3A_132 = arith.mulf %get3A_103, %add3A_131 : vector<16xf32>
        %get3A_133 = arith.index_cast %add3A_100 : i32 to index
        %get3A_134 = arith.constant 16 : index
        %get3A_135 = tpu.vector_load %arg14[%get3A_133, %get3A_134] {strides = array<i32>} : memref<640x32xf32, #tpu.memory_space<vmem>>, vector<1x16xf32>,
        %get3A_136 = vector.shape_cast %get3A_135 : vector<1x16xf32> to vector<16xf32>
        %add3A_137 = arith.addf %mul3A_132, %get3A_136 : vector<16xf32>
        %swap3A_138 = arith.index_cast %add3A_100 : i32 to index
        %swap3A_139 = arith.constant 16 : index
        %swap3A_140 = tpu.vector_load %arg12[%swap3A_138, %swap3A_139] {strides = array<i32>} : memref<640x32xf32, #tpu.memory_space<vmem>>, vector<1x16xf32>,
        %swap3A_141 = vector.shape_cast %swap3A_140 : vector<1x16xf32> to vector<16xf32>
        %swap3A_142 = vector.shape_cast %add3A_137 : vector<16xf32> to vector<1x16xf32>
        tpu.vector_store %arg12[%swap3A_138, %swap3A_139], %swap3A_142 {strides = array<i32>} : memref<640x32xf32, #tpu.memory_space<vmem>>, vector<1x16xf32>,
      }
      %scan3A_96 = arith.constant 320 : i32
      "tpu.region"() ({
        %run_scoped3A = tpu.sem_alloc : memref<!tpu.dma_semaphore, #tpu.memory_space<semaphore_mem>>
        %dma_start3A_98 = arith.constant 0 : i32
        %dma_start3A_99 = tpu.memref_slice %arg20[%mul3A_0, %dma_start3A_98] : memref<10240x32xf32, #tpu.memory_space<vmem_shared>> -> memref<640x32xf32, #tpu.memory_space<vmem_shared>>
        %dma_start3A_100 = arith.constant 0 : i32
        %dma_start3A_101 = tpu.memref_slice %arg20[%mul3A_0, %dma_start3A_100] : memref<10240x32xf32, #tpu.memory_space<vmem_shared>> -> memref<640x32xf32, #tpu.memory_space<vmem_shared>>
        tpu.enqueue_dma source(%arg12 : memref<640x32xf32, #tpu.memory_space<vmem>>) target(%dma_start3A_101 : memref<640x32xf32, #tpu.memory_space<vmem_shared>>) target_semaphore(%run_scoped3A : memref<!tpu.dma_semaphore, #tpu.memory_space<semaphore_mem>>)
        %dma_wait3A = arith.constant 0 : i32
        %dma_wait3A_102 = tpu.memref_slice %arg20[%mul3A_0, %dma_wait3A] : memref<10240x32xf32, #tpu.memory_space<vmem_shared>> -> memref<640x32xf32, #tpu.memory_space<vmem_shared>>
        %dma_wait3A_103 = arith.constant 0 : i32
        %dma_wait3A_104 = tpu.memref_slice %arg20[%mul3A_0, %dma_wait3A_103] : memref<10240x32xf32, #tpu.memory_space<vmem_shared>> -> memref<640x32xf32, #tpu.memory_space<vmem_shared>>
        tpu.wait_dma2 semaphore(%run_scoped3A : memref<!tpu.dma_semaphore, #tpu.memory_space<semaphore_mem>>) src(%arg12 : memref<640x32xf32, #tpu.memory_space<vmem>>) dst(%dma_wait3A_104 : memref<640x32xf32, #tpu.memory_space<vmem_shared>>)
        tpu.yield
      }) : () -> ()
      %barrier3A_97 = arith.constant 0 : index
      tpu.barrier barrier_id(%barrier3A_97)
    }
    %scan3A_31 = arith.constant 10 : i32
    "tpu.region"() ({
      %run_scoped3A = tpu.sem_alloc : memref<!tpu.dma_semaphore, #tpu.memory_space<semaphore_mem>>
      %dma_start3A = arith.constant 0 : i32
      %dma_start3A_32 = tpu.memref_slice %arg6[%arg0, %mul3A_0, %dma_start3A] : memref<2x10240x32xf32, #tpu.memory_space<hbm>> -> memref<1x640x32xf32, #tpu.memory_space<hbm>>
      %dma_start3A_33 = tpu.memref_squeeze %dma_start3A_32 : memref<1x640x32xf32, #tpu.memory_space<hbm>> -> memref<640x32xf32, #tpu.memory_space<hbm>>
      %dma_start3A_34 = arith.constant 0 : i32
      %dma_start3A_35 = tpu.memref_slice %arg6[%arg0, %mul3A_0, %dma_start3A_34] : memref<2x10240x32xf32, #tpu.memory_space<hbm>> -> memref<1x640x32xf32, #tpu.memory_space<hbm>>
      %dma_start3A_36 = tpu.memref_squeeze %dma_start3A_35 : memref<1x640x32xf32, #tpu.memory_space<hbm>> -> memref<640x32xf32, #tpu.memory_space<hbm>>
      tpu.enqueue_dma source(%arg12 : memref<640x32xf32, #tpu.memory_space<vmem>>) target(%dma_start3A_36 : memref<640x32xf32, #tpu.memory_space<hbm>>) target_semaphore(%run_scoped3A : memref<!tpu.dma_semaphore, #tpu.memory_space<semaphore_mem>>)
      %dma_wait3A = arith.constant 0 : i32
      %dma_wait3A_37 = tpu.memref_slice %arg6[%arg0, %mul3A_0, %dma_wait3A] : memref<2x10240x32xf32, #tpu.memory_space<hbm>> -> memref<1x640x32xf32, #tpu.memory_space<hbm>>
      %dma_wait3A_38 = tpu.memref_squeeze %dma_wait3A_37 : memref<1x640x32xf32, #tpu.memory_space<hbm>> -> memref<640x32xf32, #tpu.memory_space<hbm>>
      %dma_wait3A_39 = arith.constant 0 : i32
      %dma_wait3A_40 = tpu.memref_slice %arg6[%arg0, %mul3A_0, %dma_wait3A_39] : memref<2x10240x32xf32, #tpu.memory_space<hbm>> -> memref<1x640x32xf32, #tpu.memory_space<hbm>>
      %dma_wait3A_41 = tpu.memref_squeeze %dma_wait3A_40 : memref<1x640x32xf32, #tpu.memory_space<hbm>> -> memref<640x32xf32, #tpu.memory_space<hbm>>
      tpu.wait_dma2 semaphore(%run_scoped3A : memref<!tpu.dma_semaphore, #tpu.memory_space<semaphore_mem>>) src(%arg12 : memref<640x32xf32, #tpu.memory_space<vmem>>) dst(%dma_wait3A_41 : memref<640x32xf32, #tpu.memory_space<hbm>>)
      tpu.yield
    }) : () -> ()
    return
  }
}

#map = affine_map<(d0, d1) -> (0, 0)>
#map1 = affine_map<(d0, d1) -> (0)>
module attributes {stable_mosaic.version = 14 : i64} {
  func.func @deg_kernel(%arg0: i32, %arg1: i32, %arg2: memref<2560x128xi32, #tpu.memory_space<hbm>>, %arg3: memref<128xf32, #tpu.memory_space<hbm>>, %arg4: memref<10240xf32, #tpu.memory_space<hbm>>, %arg5: memref<2x10240xf32, #tpu.memory_space<hbm>>, %arg6: memref<80x128xi32, #tpu.memory_space<vmem>>, %arg7: memref<128xf32, #tpu.memory_space<vmem>>, %arg8: memref<10240xf32, #tpu.memory_space<vmem_shared>>) attributes {dimension_semantics = [#tpu.dimension_semantics<core_parallel>, #tpu.dimension_semantics<subcore_parallel>], iteration_bounds = array<i64: 2, 16>, scalar_prefetch = 0 : i64, scratch_operands = 3 : i64, tpu.core_type = #tpu.core_type<sc_vector_subcore>, window_params = [{transform_indices = #map}, {transform_indices = #map1}, {transform_indices = #map1}, {transform_indices = #map}]} {
    %mul3A = arith.constant 16 : i32
    %mul3A_0 = arith.muli %arg0, %mul3A : i32
    %add3A = arith.addi %mul3A_0, %arg1 : i32
    %mul3A_1 = arith.constant 80 : i32
    %mul3A_2 = arith.muli %add3A, %mul3A_1 : i32
    "tpu.region"() ({
      %run_scoped3A = tpu.sem_alloc : memref<!tpu.dma_semaphore, #tpu.memory_space<semaphore_mem>>
      %dma_start3A = arith.constant 0 : i32
      %dma_start3A_11 = tpu.memref_slice %arg2[%mul3A_2, %dma_start3A] : memref<2560x128xi32, #tpu.memory_space<hbm>> -> memref<80x128xi32, #tpu.memory_space<hbm>>
      %dma_start3A_12 = arith.constant 0 : i32
      %dma_start3A_13 = tpu.memref_slice %arg2[%mul3A_2, %dma_start3A_12] : memref<2560x128xi32, #tpu.memory_space<hbm>> -> memref<80x128xi32, #tpu.memory_space<hbm>>
      tpu.enqueue_dma source(%dma_start3A_13 : memref<80x128xi32, #tpu.memory_space<hbm>>) target(%arg6 : memref<80x128xi32, #tpu.memory_space<vmem>>) target_semaphore(%run_scoped3A : memref<!tpu.dma_semaphore, #tpu.memory_space<semaphore_mem>>)
      %dma_wait3A = arith.constant 0 : i32
      %dma_wait3A_14 = tpu.memref_slice %arg2[%mul3A_2, %dma_wait3A] : memref<2560x128xi32, #tpu.memory_space<hbm>> -> memref<80x128xi32, #tpu.memory_space<hbm>>
      %dma_wait3A_15 = arith.constant 0 : i32
      %dma_wait3A_16 = tpu.memref_slice %arg2[%mul3A_2, %dma_wait3A_15] : memref<2560x128xi32, #tpu.memory_space<hbm>> -> memref<80x128xi32, #tpu.memory_space<hbm>>
      tpu.wait_dma2 semaphore(%run_scoped3A : memref<!tpu.dma_semaphore, #tpu.memory_space<semaphore_mem>>) src(%dma_wait3A_16 : memref<80x128xi32, #tpu.memory_space<hbm>>) dst(%arg6 : memref<80x128xi32, #tpu.memory_space<vmem>>)
      tpu.yield
    }) : () -> ()
    "tpu.region"() ({
      %run_scoped3A = tpu.sem_alloc : memref<!tpu.dma_semaphore, #tpu.memory_space<semaphore_mem>>
      tpu.enqueue_dma source(%arg3 : memref<128xf32, #tpu.memory_space<hbm>>) target(%arg7 : memref<128xf32, #tpu.memory_space<vmem>>) target_semaphore(%run_scoped3A : memref<!tpu.dma_semaphore, #tpu.memory_space<semaphore_mem>>)
      tpu.wait_dma2 semaphore(%run_scoped3A : memref<!tpu.dma_semaphore, #tpu.memory_space<semaphore_mem>>) src(%arg3 : memref<128xf32, #tpu.memory_space<hbm>>) dst(%arg7 : memref<128xf32, #tpu.memory_space<vmem>>)
      tpu.yield
    }) : () -> ()
    %mul3A_3 = arith.constant 640 : i32
    %mul3A_4 = arith.muli %arg1, %mul3A_3 : i32
    "tpu.region"() ({
      %run_scoped3A = tpu.sem_alloc : memref<!tpu.dma_semaphore, #tpu.memory_space<semaphore_mem>>
      %dma_start3A = tpu.memref_slice %arg8[%mul3A_4] : memref<10240xf32, #tpu.memory_space<vmem_shared>> -> memref<640xf32, #tpu.memory_space<vmem_shared>>
      %dma_start3A_11 = tpu.memref_slice %arg4[%mul3A_4] : memref<10240xf32, #tpu.memory_space<hbm>> -> memref<640xf32, #tpu.memory_space<hbm>>
      tpu.enqueue_dma source(%dma_start3A_11 : memref<640xf32, #tpu.memory_space<hbm>>) target(%dma_start3A : memref<640xf32, #tpu.memory_space<vmem_shared>>) target_semaphore(%run_scoped3A : memref<!tpu.dma_semaphore, #tpu.memory_space<semaphore_mem>>)
      %dma_wait3A = tpu.memref_slice %arg8[%mul3A_4] : memref<10240xf32, #tpu.memory_space<vmem_shared>> -> memref<640xf32, #tpu.memory_space<vmem_shared>>
      %dma_wait3A_12 = tpu.memref_slice %arg4[%mul3A_4] : memref<10240xf32, #tpu.memory_space<hbm>> -> memref<640xf32, #tpu.memory_space<hbm>>
      tpu.wait_dma2 semaphore(%run_scoped3A : memref<!tpu.dma_semaphore, #tpu.memory_space<semaphore_mem>>) src(%dma_wait3A_12 : memref<640xf32, #tpu.memory_space<hbm>>) dst(%dma_wait3A : memref<640xf32, #tpu.memory_space<vmem_shared>>)
      tpu.yield
    }) : () -> ()
    %barrier3A = arith.constant 0 : index
    tpu.barrier barrier_id(%barrier3A)
    %scan3A = arith.constant 0 : i32
    %scan3A_5 = arith.constant 0 : i32
    %scan3A_6 = arith.constant 80 : i32
    %scan3A_7 = arith.addi %scan3A_5, %scan3A_6 : i32
    %scan3A_8 = arith.constant 1 : i32
    scf.for %scan3A_11 = %scan3A_5 to %scan3A_7 step %scan3A_8  : i32 {
      "tpu.region"() ({
        %run_scoped3A = tpu.sem_alloc : memref<!tpu.dma_semaphore, #tpu.memory_space<semaphore_mem>>
        %dma_start3A = arith.constant 0 : i32
        %dma_start3A_12 = tpu.memref_slice %arg6[%scan3A_11, %dma_start3A] : memref<80x128xi32, #tpu.memory_space<vmem>> -> memref<1x128xi32, #tpu.memory_space<vmem>>
        %dma_start3A_13 = tpu.memref_squeeze %dma_start3A_12 : memref<1x128xi32, #tpu.memory_space<vmem>> -> memref<128xi32, #tpu.memory_space<vmem>>
        %dma_start3A_14 = arith.constant 0 : i32
        %dma_start3A_15 = tpu.memref_slice %arg8[%dma_start3A_14] : memref<10240xf32, #tpu.memory_space<vmem_shared>> -> memref<10240xf32, #tpu.memory_space<vmem_shared>>
        tpu.enqueue_indirect_dma source(%arg7 : memref<128xf32, #tpu.memory_space<vmem>>) target(%dma_start3A_15 : memref<10240xf32, #tpu.memory_space<vmem_shared>>) offsets(%dma_start3A_13 : memref<128xi32, #tpu.memory_space<vmem>>) semaphore(%run_scoped3A : memref<!tpu.dma_semaphore, #tpu.memory_space<semaphore_mem>>) {add = true}
        %dma_wait3A = arith.constant 0 : i32
        %dma_wait3A_16 = tpu.memref_slice %arg6[%scan3A_11, %dma_wait3A] : memref<80x128xi32, #tpu.memory_space<vmem>> -> memref<1x128xi32, #tpu.memory_space<vmem>>
        %dma_wait3A_17 = tpu.memref_squeeze %dma_wait3A_16 : memref<1x128xi32, #tpu.memory_space<vmem>> -> memref<128xi32, #tpu.memory_space<vmem>>
        %dma_wait3A_18 = arith.constant 0 : i32
        %dma_wait3A_19 = tpu.memref_slice %arg8[%dma_wait3A_18] : memref<10240xf32, #tpu.memory_space<vmem_shared>> -> memref<10240xf32, #tpu.memory_space<vmem_shared>>
        tpu.wait_indirect_dma semaphore(%run_scoped3A : memref<!tpu.dma_semaphore, #tpu.memory_space<semaphore_mem>>) src(%arg7 : memref<128xf32, #tpu.memory_space<vmem>>) dst(%dma_wait3A_19 : memref<10240xf32, #tpu.memory_space<vmem_shared>>)
        tpu.yield
      }) : () -> ()
    }
    %scan3A_9 = arith.constant 80 : i32
    %barrier3A_10 = arith.constant 0 : index
    tpu.barrier barrier_id(%barrier3A_10)
    "tpu.region"() ({
      %run_scoped3A = tpu.sem_alloc : memref<!tpu.dma_semaphore, #tpu.memory_space<semaphore_mem>>
      %dma_start3A = tpu.memref_slice %arg5[%arg0, %mul3A_4] : memref<2x10240xf32, #tpu.memory_space<hbm>> -> memref<1x640xf32, #tpu.memory_space<hbm>>
      %dma_start3A_11 = tpu.memref_squeeze %dma_start3A : memref<1x640xf32, #tpu.memory_space<hbm>> -> memref<640xf32, #tpu.memory_space<hbm>>
      %dma_start3A_12 = tpu.memref_slice %arg8[%mul3A_4] : memref<10240xf32, #tpu.memory_space<vmem_shared>> -> memref<640xf32, #tpu.memory_space<vmem_shared>>
      tpu.enqueue_dma source(%dma_start3A_12 : memref<640xf32, #tpu.memory_space<vmem_shared>>) target(%dma_start3A_11 : memref<640xf32, #tpu.memory_space<hbm>>) target_semaphore(%run_scoped3A : memref<!tpu.dma_semaphore, #tpu.memory_space<semaphore_mem>>)
      %dma_wait3A = tpu.memref_slice %arg5[%arg0, %mul3A_4] : memref<2x10240xf32, #tpu.memory_space<hbm>> -> memref<1x640xf32, #tpu.memory_space<hbm>>
      %dma_wait3A_13 = tpu.memref_squeeze %dma_wait3A : memref<1x640xf32, #tpu.memory_space<hbm>> -> memref<640xf32, #tpu.memory_space<hbm>>
      %dma_wait3A_14 = tpu.memref_slice %arg8[%mul3A_4] : memref<10240xf32, #tpu.memory_space<vmem_shared>> -> memref<640xf32, #tpu.memory_space<vmem_shared>>
      tpu.wait_dma2 semaphore(%run_scoped3A : memref<!tpu.dma_semaphore, #tpu.memory_space<semaphore_mem>>) src(%dma_wait3A_14 : memref<640xf32, #tpu.memory_space<vmem_shared>>) dst(%dma_wait3A_13 : memref<640xf32, #tpu.memory_space<hbm>>)
      tpu.yield
    }) : () -> ()
    return
  }
}

module attributes {stable_mosaic.version = 14 : i64} {
  func.func @_pre_body(%arg0: i32, %arg1: memref<1024x128xf32, #tpu.memory_space<vmem>>, %arg2: memref<128x64xf32, #tpu.memory_space<vmem>>, %arg3: memref<1x64xf32, #tpu.memory_space<vmem>>, %arg4: memref<1024x64xf32, #tpu.memory_space<vmem>>) attributes {dimension_semantics = [#tpu.dimension_semantics<arbitrary>], iteration_bounds = array<i64: 10>, scalar_prefetch = 0 : i64, scratch_operands = 0 : i64, tpu.core_type = #tpu.core_type<tc>, window_params = [{transform_indices = @transform_0, window_bounds = array<i64: 1024, 128>}, {pipeline_mode = #tpu.pipeline_mode<synchronous>, transform_indices = @transform_1, window_bounds = array<i64: 128, 64>}, {pipeline_mode = #tpu.pipeline_mode<synchronous>, transform_indices = @transform_2, window_bounds = array<i64: 1, 64>}, {transform_indices = @transform_3, window_bounds = array<i64: 1024, 64>}]} {
    %get3A = arith.constant 0 : index
    %get3A_0 = arith.constant 0 : index
    %get3A_1 = vector.load %arg1[%get3A, %get3A_0] : memref<1024x128xf32, #tpu.memory_space<vmem>>, vector<1024x128xf32>
    %get3A_2 = arith.constant 0 : index
    %get3A_3 = arith.constant 0 : index
    %get3A_4 = vector.load %arg2[%get3A_2, %get3A_3] : memref<128x64xf32, #tpu.memory_space<vmem>>, vector<128x64xf32>
    %dot_general3A = arith.constant dense<0.000000e+00> : vector<1024x64xf32>
    %dot_general3A_5 = tpu.matmul %get3A_1, %get3A_4, %dot_general3A {dimension_numbers = #tpu.dot_dimension_numbers<[1], [0], [0], [1], [0, 0, 1, 1], [], []>, transpose_lhs_hint = false} : vector<1024x128xf32>, vector<128x64xf32>, vector<1024x64xf32> -> vector<1024x64xf32>
    %get3A_6 = arith.constant 0 : index
    %get3A_7 = arith.constant 0 : index
    %get3A_8 = vector.load %arg3[%get3A_6, %get3A_7] : memref<1x64xf32, #tpu.memory_space<vmem>>, vector<1x64xf32>
    %add3A = vector.broadcast %get3A_8 : vector<1x64xf32> to vector<1024x64xf32>
    %add3A_9 = arith.addf %dot_general3A_5, %add3A : vector<1024x64xf32>
    %max3A = arith.constant 0.000000e+00 : f32
    %max3A_10 = vector.broadcast %max3A : f32 to vector<1024x64xf32>
    %max3A_11 = arith.maximumf %add3A_9, %max3A_10 : vector<1024x64xf32>
    %swap3A = arith.constant 0 : index
    %swap3A_12 = arith.constant 0 : index
    %swap3A_13 = vector.load %arg4[%swap3A, %swap3A_12] : memref<1024x64xf32, #tpu.memory_space<vmem>>, vector<1024x64xf32>
    tpu.vector_store %arg4[%swap3A, %swap3A_12], %max3A_11 {strides = array<i32>} : memref<1024x64xf32, #tpu.memory_space<vmem>>, vector<1024x64xf32>,
    return
  }
  func.func @transform_0(%arg0: i32) -> (i32, i32) {
    %c0_i32 = arith.constant 0 : i32
    %c0_i32_0 = arith.constant 0 : i32
    return %arg0, %c0_i32 : i32, i32
  }
  func.func @transform_1(%arg0: i32) -> (i32, i32) {
    %c0_i32 = arith.constant 0 : i32
    %c0_i32_0 = arith.constant 0 : i32
    %c0_i32_1 = arith.constant 0 : i32
    return %c0_i32, %c0_i32_0 : i32, i32
  }
  func.func @transform_2(%arg0: i32) -> (i32, i32) {
    %c0_i32 = arith.constant 0 : i32
    %c0_i32_0 = arith.constant 0 : i32
    %c0_i32_1 = arith.constant 0 : i32
    return %c0_i32, %c0_i32_0 : i32, i32
  }
  func.func @transform_3(%arg0: i32) -> (i32, i32) {
    %c0_i32 = arith.constant 0 : i32
    %c0_i32_0 = arith.constant 0 : i32
    return %arg0, %c0_i32 : i32, i32
  }
}

module attributes {stable_mosaic.version = 14 : i64} {
  func.func @_prep_body(%arg0: memref<160x128xf32, #tpu.memory_space<vmem>>, %arg1: memref<80x128xf32, #tpu.memory_space<vmem>>, %arg2: memref<80x128xf32, #tpu.memory_space<vmem>>, %arg3: memref<80x128xf32, #tpu.memory_space<vmem>>) attributes {dimension_semantics = [], scalar_prefetch = 0 : i64, scratch_operands = 0 : i64, tpu.core_type = #tpu.core_type<tc>} {
    %get3A = arith.constant 0 : index
    %get3A_0 = arith.constant 0 : index
    %get3A_1 = vector.load %arg0[%get3A, %get3A_0] : memref<160x128xf32, #tpu.memory_space<vmem>>, vector<80x128xf32>
    %get3A_2 = arith.constant 80 : index
    %get3A_3 = arith.constant 0 : index
    %get3A_4 = vector.load %arg0[%get3A_2, %get3A_3] : memref<160x128xf32, #tpu.memory_space<vmem>>, vector<80x128xf32>
    %add3A = arith.addf %get3A_1, %get3A_4 : vector<80x128xf32>
    %add3A_5 = arith.constant 1.000000e+00 : f32
    %add3A_6 = vector.broadcast %add3A_5 : f32 to vector<80x128xf32>
    %add3A_7 = arith.addf %add3A, %add3A_6 : vector<80x128xf32>
    %rsqrt3A = math.rsqrt %add3A_7 : vector<80x128xf32>
    %div3A = arith.constant 0.899999976 : f32
    %div3A_8 = vector.broadcast %div3A : f32 to vector<80x128xf32>
    %div3A_9 = arith.divf %div3A_8, %add3A_7 : vector<80x128xf32>
    %swap3A = arith.constant 0 : index
    %swap3A_10 = arith.constant 0 : index
    %swap3A_11 = vector.load %arg1[%swap3A, %swap3A_10] : memref<80x128xf32, #tpu.memory_space<vmem>>, vector<80x128xf32>
    tpu.vector_store %arg1[%swap3A, %swap3A_10], %div3A_9 {strides = array<i32>} : memref<80x128xf32, #tpu.memory_space<vmem>>, vector<80x128xf32>,
    %swap3A_12 = arith.constant 0 : index
    %swap3A_13 = arith.constant 0 : index
    %swap3A_14 = vector.load %arg2[%swap3A_12, %swap3A_13] : memref<80x128xf32, #tpu.memory_space<vmem>>, vector<80x128xf32>
    tpu.vector_store %arg2[%swap3A_12, %swap3A_13], %rsqrt3A {strides = array<i32>} : memref<80x128xf32, #tpu.memory_space<vmem>>, vector<80x128xf32>,
    %mul3A = arith.mulf %add3A_7, %rsqrt3A : vector<80x128xf32>
    %swap3A_15 = arith.constant 0 : index
    %swap3A_16 = arith.constant 0 : index
    %swap3A_17 = vector.load %arg3[%swap3A_15, %swap3A_16] : memref<80x128xf32, #tpu.memory_space<vmem>>, vector<80x128xf32>
    tpu.vector_store %arg3[%swap3A_15, %swap3A_16], %mul3A {strides = array<i32>} : memref<80x128xf32, #tpu.memory_space<vmem>>, vector<80x128xf32>,
    return
  }
}

module attributes {stable_mosaic.version = 14 : i64} {
  func.func @_scale_body(%arg0: i32, %arg1: memref<1024x64xf32, #tpu.memory_space<vmem>>, %arg2: memref<1024x64xf32, #tpu.memory_space<vmem>>, %arg3: memref<1024x64xf32, #tpu.memory_space<vmem>>, %arg4: memref<1024x64xf32, #tpu.memory_space<vmem>>) attributes {dimension_semantics = [#tpu.dimension_semantics<arbitrary>], iteration_bounds = array<i64: 10>, scalar_prefetch = 0 : i64, scratch_operands = 0 : i64, tpu.core_type = #tpu.core_type<tc>, window_params = [{transform_indices = @transform_0, window_bounds = array<i64: 1024, 64>}, {transform_indices = @transform_1, window_bounds = array<i64: 1024, 64>}, {transform_indices = @transform_2, window_bounds = array<i64: 1024, 64>}, {transform_indices = @transform_3, window_bounds = array<i64: 1024, 64>}]} {
    %get3A = arith.constant 0 : index
    %get3A_0 = arith.constant 0 : index
    %get3A_1 = vector.load %arg1[%get3A, %get3A_0] : memref<1024x64xf32, #tpu.memory_space<vmem>>, vector<1024x64xf32>
    %get3A_2 = arith.constant 0 : index
    %get3A_3 = arith.constant 0 : index
    %get3A_4 = vector.load %arg2[%get3A_2, %get3A_3] : memref<1024x64xf32, #tpu.memory_space<vmem>>, vector<1024x64xf32>
    %mul3A = arith.mulf %get3A_1, %get3A_4 : vector<1024x64xf32>
    %swap3A = arith.constant 0 : index
    %swap3A_5 = arith.constant 0 : index
    %swap3A_6 = vector.load %arg3[%swap3A, %swap3A_5] : memref<1024x64xf32, #tpu.memory_space<vmem>>, vector<1024x64xf32>
    tpu.vector_store %arg3[%swap3A, %swap3A_5], %mul3A {strides = array<i32>} : memref<1024x64xf32, #tpu.memory_space<vmem>>, vector<1024x64xf32>,
    %mul3A_7 = arith.constant 1.000000e-01 : f32
    %mul3A_8 = vector.broadcast %mul3A_7 : f32 to vector<1024x64xf32>
    %mul3A_9 = arith.mulf %mul3A_8, %mul3A : vector<1024x64xf32>
    %swap3A_10 = arith.constant 0 : index
    %swap3A_11 = arith.constant 0 : index
    %swap3A_12 = vector.load %arg4[%swap3A_10, %swap3A_11] : memref<1024x64xf32, #tpu.memory_space<vmem>>, vector<1024x64xf32>
    tpu.vector_store %arg4[%swap3A_10, %swap3A_11], %mul3A_9 {strides = array<i32>} : memref<1024x64xf32, #tpu.memory_space<vmem>>, vector<1024x64xf32>,
    return
  }
  func.func @transform_0(%arg0: i32) -> (i32, i32) {
    %c0_i32 = arith.constant 0 : i32
    %c0_i32_0 = arith.constant 0 : i32
    return %arg0, %c0_i32 : i32, i32
  }
  func.func @transform_1(%arg0: i32) -> (i32, i32) {
    %c0_i32 = arith.constant 0 : i32
    %c0_i32_0 = arith.constant 0 : i32
    return %arg0, %c0_i32 : i32, i32
  }
  func.func @transform_2(%arg0: i32) -> (i32, i32) {
    %c0_i32 = arith.constant 0 : i32
    %c0_i32_0 = arith.constant 0 : i32
    return %arg0, %c0_i32 : i32, i32
  }
  func.func @transform_3(%arg0: i32) -> (i32, i32) {
    %c0_i32 = arith.constant 0 : i32
    %c0_i32_0 = arith.constant 0 : i32
    return %arg0, %c0_i32 : i32, i32
  }
}

module attributes {stable_mosaic.version = 14 : i64} {
  func.func @_post_body(%arg0: i32, %arg1: memref<1024x64xf32, #tpu.memory_space<vmem>>, %arg2: memref<1024x64xf32, #tpu.memory_space<vmem>>, %arg3: memref<1024x64xf32, #tpu.memory_space<vmem>>) attributes {dimension_semantics = [#tpu.dimension_semantics<arbitrary>], iteration_bounds = array<i64: 10>, scalar_prefetch = 0 : i64, scratch_operands = 0 : i64, tpu.core_type = #tpu.core_type<tc>, window_params = [{transform_indices = @transform_0, window_bounds = array<i64: 1024, 64>}, {transform_indices = @transform_1, window_bounds = array<i64: 1024, 64>}, {transform_indices = @transform_2, window_bounds = array<i64: 1024, 64>}]} {
    %get3A = arith.constant 0 : index
    %get3A_0 = arith.constant 0 : index
    %get3A_1 = vector.load %arg1[%get3A, %get3A_0] : memref<1024x64xf32, #tpu.memory_space<vmem>>, vector<1024x64xf32>
    %get3A_2 = arith.constant 0 : index
    %get3A_3 = arith.constant 0 : index
    %get3A_4 = vector.load %arg2[%get3A_2, %get3A_3] : memref<1024x64xf32, #tpu.memory_space<vmem>>, vector<1024x64xf32>
    %mul3A = arith.mulf %get3A_1, %get3A_4 : vector<1024x64xf32>
    %reduce_max3A = arith.constant dense<0xFF800000> : vector<1024xf32>
    %reduce_max3A_5 = vector.multi_reduction <maximumf>, %mul3A, %reduce_max3A [1] : vector<1024x64xf32> to vector<1024xf32>
    %broadcast_in_dim3A = vector.shape_cast %reduce_max3A_5 : vector<1024xf32> to vector<1024x1xf32>
    %sub3A = vector.broadcast %broadcast_in_dim3A : vector<1024x1xf32> to vector<1024x64xf32>
    %sub3A_6 = arith.subf %mul3A, %sub3A : vector<1024x64xf32>
    %exp3A = math.exp %sub3A_6 : vector<1024x64xf32>
    %reduce_sum3A = arith.constant dense<0.000000e+00> : vector<1024xf32>
    %reduce_sum3A_7 = vector.multi_reduction <add>, %exp3A, %reduce_sum3A [1] : vector<1024x64xf32> to vector<1024xf32>
    %broadcast_in_dim3A_8 = vector.shape_cast %reduce_sum3A_7 : vector<1024xf32> to vector<1024x1xf32>
    %sub3A_9 = vector.broadcast %broadcast_in_dim3A : vector<1024x1xf32> to vector<1024x64xf32>
    %sub3A_10 = arith.subf %mul3A, %sub3A_9 : vector<1024x64xf32>
    %log3A = math.log %broadcast_in_dim3A_8 : vector<1024x1xf32>
    %sub3A_11 = vector.broadcast %log3A : vector<1024x1xf32> to vector<1024x64xf32>
    %sub3A_12 = arith.subf %sub3A_10, %sub3A_11 : vector<1024x64xf32>
    %swap3A = arith.constant 0 : index
    %swap3A_13 = arith.constant 0 : index
    %swap3A_14 = vector.load %arg3[%swap3A, %swap3A_13] : memref<1024x64xf32, #tpu.memory_space<vmem>>, vector<1024x64xf32>
    tpu.vector_store %arg3[%swap3A, %swap3A_13], %sub3A_12 {strides = array<i32>} : memref<1024x64xf32, #tpu.memory_space<vmem>>, vector<1024x64xf32>,
    return
  }
  func.func @transform_0(%arg0: i32) -> (i32, i32) {
    %c0_i32 = arith.constant 0 : i32
    %c0_i32_0 = arith.constant 0 : i32
    return %arg0, %c0_i32 : i32, i32
  }
  func.func @transform_1(%arg0: i32) -> (i32, i32) {
    %c0_i32 = arith.constant 0 : i32
    %c0_i32_0 = arith.constant 0 : i32
    return %arg0, %c0_i32 : i32, i32
  }
  func.func @transform_2(%arg0: i32) -> (i32, i32) {
    %c0_i32 = arith.constant 0 : i32
    %c0_i32_0 = arith.constant 0 : i32
    return %arg0, %c0_i32 : i32, i32
  }
}

</mosaic_0001>

<sc_bundles>
// kernel: kernel.11.cloned.1.call-start
scs
__scs_entry_jumppad:
0x0: {  	(pc) =	sbr.rel $0x88, $3  }
0x1: {  	(tag) =	ssettag $0x0;
	lr =	simm.s32 $0x1  }
0x2: {  	[smem:$0x3F9D] =	sst lr;
	_ =	strace $0xD0000000  }
0x3: {  	_ = 	snop  }
0x4: {  	_ = 	snop  }
0x5: {  	_ = 	snop  }
0x6: {  	_ = 	snop  }
0x7: {  	_ = 	snop  }
__scs_overlays_trampoline_lowered:
0x8: {  	[smem:$0x3FAC] =	sst s0  }
0x9: {  	[smem:$0x3FAD] =	sst s1  }
0xa: {  	[smem:$0x3FAE] =	sst s2  }
0xb: {  	[smem:$0x3FAF] =	sst s3  }
0xc: {  	[smem:$0x3FB0] =	sst s4  }
0xd: {  	[smem:$0x3FB1] =	sst s5  }
0xe: {  	[smem:$0x3FB2] =	sst s6  }
0xf: {  	[smem:$0x3FB3] =	sst s7  }
0x10: {  	[smem:$0x3FB4] =	sst s8  }
0x11: {  	[smem:$0x3FB5] =	sst s9;
	s0 =	simm.s32 @!p0 $0x0  }
0x12: {  	s1 =	sld [smem:$0x3F9B];
	s0 =	simm.s32 @p0 $0x1  }
0x13: {  	[smem:$0x3FB6] =	sst s0;
	s0 =	simm.s32 @!p1 $0x0  }
0x14: {  	s2 =	sld [smem:$0x3F9A];
	s0 =	simm.s32 @p1 $0x1  }
0x15: {  	[smem:$0x3FB7] =	sst s0;
	s0 =	simm.s32 @!p2 $0x0  }
0x16: {  	s3 =	sld [smem:$0x3FDB];
	s0 =	simm.s32 @p2 $0x1  }
0x17: {  	s4 =	simm.s32 $0x1BF5;
	[smem:$0x3FB9] =	sst s0  }
0x18: {  	s0 =	sld [smem:$0x3F9C];
	_ =	swait.ge [sflag:s4], $0x0  }
0x19: {  	s7 =	sld [smem:$0x3F9D]  }
0x1a: {  	s8 =	sadd.s32 $0xFFFFE003, lr  }
0x1b: {  	s9 =	sadd.s32 $0xFFFFFEF7, lr;
	s5 =	simm.s32 $0xFFFFFFFF;
	p2 =	slt.u32 s8, $0xFFFFF086  }
0x1c: {  	p1 =	slt.u32 s9, $0xF7A;
	s5 =	simm.s32 @!p2 $0x0  }
0x1d: {  	s5 =	simm.s32 @p1 $0x1;
	p0 =	seq.s32 s7, s2  }
0x1e: {  	s7 =	smul.u32 @!p0 $0xF7A, s2;
	p2 =	seq.s32 @!p0 s5, $0x0  }
0x1f: {  	s9 =	smul.u32 $0xF7A, s1;
	s8 =	simm.s32 @!p0 $0x1BF5;
	p2 =	por !p2, p0  }
0x20: {  	[sflag:s8] =	ssyncset.s32 @!p0 $0xFFFFF086;
	s6 =	sadd.s32 @!p0 s3, s7;
	s7 =	simm.s32 @!p0 $0x108  }
0x21: {  	s3 =	sadd.s32 s3, s9;
	s6 =	sadd.s32 @!p0 $0x88, s6;
	s7 =	simm.s32 @p2 $0x1082  }
0x22: {  	[simem:s7], [sflag:s8] =	dma.local @!p0 [hbm:s6], $0xF7A  }
0x23: {  	s9 =	sor.u32 $0xD0000000, s2;
	s6 =	simm.s32 $0x108;
	_ =	swait.ge @!p0 [sflag:s8], $0x0  }
0x24: {  	s3 =	sadd.s32 $0x88, s3;
	s6 =	simm.s32 @!p1 $0x1082;
	[sflag:s4] =	ssyncset.s32 $0xFFFFF086  }
0x25: {  	[simem:s6], [sflag:s4] =	dma.local [hbm:s3], $0xF7A  }
0x26: {  	[smem:$0x3F9D] =	sst s1;
	(tag) =	ssettag s2;
	_ =	strace s9  }
0x27: {  	s1 =	sld [smem:$0x3FAD]  }
0x28: {  	s2 =	sld [smem:$0x3FAE]  }
0x29: {  	s4 =	sld [smem:$0x3FB0]  }
0x2a: {  	p0 =	seq.s32 s5, $0x0;
	s5 =	sld [smem:$0x3FB1]  }
0x2b: {  	s6 =	sld [smem:$0x3FB2]  }
0x2c: {  	s7 =	sld [smem:$0x3FB3]  }
0x2d: {  	s3 =	simm.s32 $0x108;
	s8 =	sld [smem:$0x3FB4]  }
0x2e: {  	s3 =	simm.s32 @!p0 $0x1082;
	s9 =	sld [smem:$0x3FB5]  }
0x2f: {  	lr =	sadd.s32 s0, s3;
	s0 =	sld [smem:$0x3FAC]  }
0x30: {  	s3 =	sld [smem:$0x3FAF]  }
0x31: {  	[smem:$0x3FB8] =	sst s10  }
0x32: {  	s10 =	sld [smem:$0x3FB6];
	_ =	sdelay $0x3  }
0x33: {  	p0 =	seq.s32 s10, $0x1;
	s10 =	sld [smem:$0x3FB8];
	_ =	sdelay $0x3  }
0x34: {  	[smem:$0x3FB8] =	sst s10  }
0x35: {  	s10 =	sld [smem:$0x3FB7];
	_ =	sdelay $0x3  }
0x36: {  	p1 =	seq.s32 s10, $0x1;
	s10 =	sld [smem:$0x3FB8];
	_ =	sdelay $0x3  }
0x37: {  	[smem:$0x3FB8] =	sst s10  }
0x38: {  	s10 =	sld [smem:$0x3FB9]  }
0x39: {  	_ = 	snop;
	(pc) =	sbr.ind lr, $3  }
0x3a: {  	_ = 	snop  }
0x3b: {  	_ = 	snop  }
0x3c: {  	p2 =	seq.s32 s10, $0x1;
	s10 =	sld [smem:$0x3FB8]  }
0x3d: {  	_ =	shalt  }
0x3e: {  	_ =	shalt  }
0x3f: {  	_ =	shalt  }
0x40: {  	_ =	shalt  }
0x41: {  	_ =	shalt  }
0x42: {  	_ =	shalt  }
0x43: {  	_ =	shalt  }
0x44: {  	_ =	shalt  }
0x45: {  	_ =	shalt  }
0x46: {  	_ =	shalt  }
0x47: {  	_ =	shalt  }
0x48: {  	_ =	shalt  }
0x49: {  	_ =	shalt  }
0x4a: {  	_ =	shalt  }
0x4b: {  	_ =	shalt  }
0x4c: {  	_ =	shalt  }
0x4d: {  	_ =	shalt  }
0x4e: {  	_ =	shalt  }
0x4f: {  	_ =	shalt  }
0x50: {  	_ =	shalt  }
0x51: {  	_ =	shalt  }
0x52: {  	_ =	shalt  }
0x53: {  	_ =	shalt  }
0x54: {  	_ =	shalt  }
0x55: {  	_ =	shalt  }
0x56: {  	_ =	shalt  }
0x57: {  	_ =	shalt  }
0x58: {  	_ =	shalt  }
0x59: {  	_ =	shalt  }
0x5a: {  	_ =	shalt  }
0x5b: {  	_ =	shalt  }
0x5c: {  	_ =	shalt  }
0x5d: {  	_ =	shalt  }
0x5e: {  	_ =	shalt  }
0x5f: {  	_ =	shalt  }
0x60: {  	_ =	shalt  }
0x61: {  	_ =	shalt  }
0x62: {  	_ =	shalt  }
0x63: {  	_ =	shalt  }
0x64: {  	_ =	shalt  }
0x65: {  	_ =	shalt  }
0x66: {  	_ =	shalt  }
0x67: {  	_ =	shalt  }
0x68: {  	_ =	shalt  }
0x69: {  	_ =	shalt  }
0x6a: {  	_ =	shalt  }
0x6b: {  	_ =	shalt  }
0x6c: {  	_ =	shalt  }
0x6d: {  	_ =	shalt  }
0x6e: {  	_ =	shalt  }
0x6f: {  	_ =	shalt  }
0x70: {  	_ =	shalt  }
0x71: {  	_ =	shalt  }
0x72: {  	_ =	shalt  }
0x73: {  	_ =	shalt  }
0x74: {  	_ =	shalt  }
0x75: {  	_ =	shalt  }
0x76: {  	_ =	shalt  }
0x77: {  	_ =	shalt  }
0x78: {  	_ =	shalt  }
0x79: {  	_ =	shalt  }
0x7a: {  	_ =	shalt  }
0x7b: {  	_ =	shalt  }
0x7c: {  	_ =	shalt  }
0x7d: {  	_ =	shalt  }
0x7e: {  	_ =	shalt  }
0x7f: {  	_ =	shalt  }
0x80: {  	_ =	shalt  }
0x81: {  	_ =	shalt  }
0x82: {  	_ =	shalt  }
0x83: {  	_ =	shalt  }
0x84: {  	_ =	shalt  }
0x85: {  	_ =	shalt  }
0x86: {  	_ =	shalt  }
0x87: {  	_ =	shalt  }
.Lfunc_end0:
.L_simem_size_0:
called_computation.1_lowered:
.L_overlay_start_0:
0x88: {  	s2 =	sld [smem:$0x3FD9]  }
0x89: {  	s3 =	sld [smem:$0x3FFE];
	_ =	sdelay $0x1  }
0x8a: {  	s1 =	srdreg.scid  }
0x8b: {  	s0 =	sand.u32 $0x1, s1  }
0x8c: {  	s17 =	sshll.u32 s0, $0xA;
	s2 =	sadd.s32 s3, s2  }
0x8d: {  	s2 =	sadd.s32 s2, s17  }
0x8e: {  	[smem:$0x3FC4] =	sst s2  }
0x8f: {  	_ = 	snop  }
0x90: {  	s2 =	sld [smem:$0x3FD0];
	(tm) =	ssettm $0x1  }
0x91: {  	s18 =	sld [smem:$0x3FFB];
	_ =	sdelay $0x3  }
0x92: {  	_ =	strace s18  }
0x93: {  	s3 =	sld [smem:$0x3FFC];
	_ =	sdelay $0x3  }
0x94: {  	_ =	strace s3  }
0x95: {  	s3 =	sld [smem:$0x3FFD];
	_ =	sdelay $0x3  }
0x96: {  	_ =	strace s3  }
0x97: {  	_ =	strace $0x8FFFFFFF  }
0x98: {  	s19 =	sld [smem:$0x3FDB];
	_ =	sdelay $0x1  }
0x99: {  	s4 =	simm.s32 $_scs_section_size  }
0x9a: {  	s5 =	simm.s32 $_size__tile_overlayer_lowered;
	s6 =	simm.s32 $_tile_overlayer_lowered  }
0x9b: {  	s22 =	simm.s32 $0x1BFF;
	s21 =	sshll.u32 s6, $0x1;
	s3 =	sadd.s32 s4, s19  }
0x9c: {  	s7 =	simm.s32 $0x0;
	s20 =	sshll.u32 s5, $0x1;
	s5 =	sadd.s32 s21, s3  }
0x9d: {  	[timem:s7], [sflag:s22] =	dma.local [hbm:s5], s20  }
0x9e: {  	_ =	swait.ge [sflag:s22], s20  }
0x9f: {  	s4 =	ssub.s32 $0x0, s20;
	[sflag:s22] =	ssyncset.done $0x0  }
0xa0: {  	[sflag:s22] =	ssyncadd.s32 s4;
	_ =	sdelay $0x1  }
0xa1: {  	s23 =	simm.s32 $0x1B8B  }
0xa2: {  	_ =	swait.ge [sflag:s23], $0x1  }
0xa3: {  	[sflag:s23] =	ssyncset.done $0x0  }
0xa4: {  	s25 =	simm.s32 $0x1B8E;
	s24 =	sld [smem:$0x3FFE];
	[sflag:s23] =	ssyncadd.s32 $0xFFFFFFFF  }
0xa5: {  	s26 =	simm.s32 $execute0_lowered;
	[smem:$0x3FD2] =	sst s25  }
0xa6: {  	s5 =	sshll.u32 s26, $0x1;
	_ =	strace $0x80000049;
	[dreg:$0x1] =	wrdreg $0xFFFFFFFF  }
0xa7: {  	s28 =	simm.s32 $_size_execute0_lowered;
	s3 =	sadd.s32 s3, s5;
	[dreg:$0x0] =	wrdreg $0x0  }
0xa8: {  	s5 =	sshll.u32 s28, $0x1;
	[dreg:$0x2] =	wrdreg s3  }
0xa9: {  	[dreg:$0x3] =	wrdreg s5  }
0xaa: {  	[dreg:$0x4] =	wrdreg $0xC0  }
0xab: {  	_ =	task [dreg:s7], $0x5FFFF  }
0xac: {  	[dreg:$0x1] =	wrdreg $0xFFFFFFFF  }
0xad: {  	[dreg:$0x0] =	wrdreg $0x60  }
0xae: {  	[dreg:$0x2] =	wrdreg s24  }
0xaf: {  	[dreg:$0x3] =	wrdreg s2  }
0xb0: {  	[dreg:$0x4] =	wrdreg $0x19C000  }
0xb1: {  	[dreg:$0x5] =	wrdreg $0x14C000  }
0xb2: {  	[dreg:$0x6] =	wrdreg $0x9  }
0xb3: {  	_ =	task.clear_ibuf [dreg:s7], $0x7FFFF;
	_ =	strace $0x90000049  }
0xb4: {  	s29 =	simm.s32 $0x9;
	_ =	strace $0x8000004B  }
0xb5: {  	_ =	swait.ge [sflag:s29], $0x1  }
0xb6: {  	[sflag:s29] =	ssyncadd.s32 $0xFFFFFFFF  }
0xb7: {  	_ =	strace $0x9000004B  }
0xb8: {  	_ =	sfence  }
0xb9: {  	s30 =	sld [smem:$0x0];
	_ =	sdelay $0x2  }
0xba: {  	s31 =	sshll.u32 s1, $0xD;
	s1 =	sshrl.u32 s1, $0x2  }
0xbb: {  	s3 =	sand.u32 $0x4000, s31;
	s1 =	sadd.s32 s1, s30  }
0xbc: {  	s0 =	sor.u32 s3, s0;
	s1 =	sshll.u32 s1, $0x11  }
0xbd: {  	s0 =	sor.u32 s1, s0  }
0xbe: {  	s0 =	sadd.s32 $0x8F2B, s0  }
0xbf: {  	[sflag:s0] =	ssyncadd.remote.s32 $0x1  }
0xc0: {  	_ =	sfence.sel $0xFFFF  }
0xc1: {  	[dreg:$0x0] =	wrdreg $0xFFFFFFFF;
	(pc) =	sbr.abs _section_cstart, $3  }
0xc2: {  	[dreg:$0x1] =	wrdreg $0xFFFFFFFF  }
0xc3: {  	_ =	task.clear_ibuf [dreg:s7], $0x2FFFF;
	_ =	strace $0x9FFFFFFF  }
0xc4: {  	(tm) =	ssettm $0x7FFFFFFF  }
0xc5: {  	_ =	shalt  }
tec
execute0_lowered:
.L_overlay_start_1:
0x0: {  	(tag) =	ssettag $0x1  }
0x1: {  	s0 =	rddreg [dreg:$0x0]  }
0x2: {  	s1 =	rddreg [dreg:$0x1]  }
0x3: {  	s2 =	rddreg [dreg:$0x2]  }
0x4: {  	s3 =	rddreg [dreg:$0x3]  }
0x5: {  	s4 =	srdreg.scid;
	s10 =	stileid.u32;
	s20 =	simm.s32 $0x100  }
0x6: {  	s21 =	simm.s32 $0x180;
	s22 =	simm.s32 $0x480;
	s23 =	simm.s32 $0x500  }
0x7: {  	s24 =	simm.s32 $0x580;
	s25 =	simm.s32 $0x280;
	s6 =	smul.u32 $0xA000, s10  }
0x8: {  	s26 =	simm.s32 $0x300;
	s28 =	simm.s32 $0x80;
	s8 =	smul.u32 $0x500, s10  }
0x9: {  	s29 =	simm.s32 $0x800;
	s30 =	simm.s32 $0x1800;
	s14 =	smul.u32 $0x5000, s10  }
0xa: {  	s5 =	sand.u32 $0x1, s4;
	s4 =	simm.s32 $0x0;
	s11 =	smul.u32 $0xA00, s10  }
0xb: {  	s31 =	simm.s32 $0x2800;
	s10 =	smul.u32 $0x14000, s10;
	[smem:$0x7FF] =	sst s4  }
0xc: {  	s7 =	sshll.u32 s5, $0x5;
	_ =	strace $0x8000004A;
	[dreg:$0x5] =	wrdreg s20  }
0xd: {  	s9 =	smul.u32 $0x50000, s5;
	s5 =	ssub.s32 $0x2, s5;
	[dreg:$0x6] =	wrdreg s21  }
0xe: {  	s6 =	sor.u32 s7, s6;
	s8 =	sadd.s32 s8, s0;
	[dreg:$0x7] =	wrdreg s22  }
0xf: {  	s12 =	sadd.s32 s11, s0;
	s13 =	sshrl.u32 s5, $0x1;
	[dreg:$0x8] =	wrdreg s23  }
0x10: {  	s15 =	sshrl.u32 s10, $0x2;
	s17 =	sadd.s32 s14, s2;
	[dreg:$0x9] =	wrdreg s24  }
0x11: {  	s7 =	sadd.s32 s14, s3;
	s22 =	simm.s32 $0x4800;
	[dreg:$0xa] =	wrdreg s25  }
0x12: {  	s23 =	simm.s32 $0x400;
	s24 =	simm.s32 $0x200;
	[dreg:$0xb] =	wrdreg s26  }
0x13: {  	s25 =	simm.s32 $0x600;
	s26 =	simm.s32 $0x3;
	s20 =	simm.s32 $0x680  }
0x14: {  	s6 =	sshrl.u32 s6, $0x3;
	s9 =	sadd.s32 s14, s9;
	s5 =	ssub.s32 s5, s13  }
0x15: {  	s8 =	sadd.s32 $0x1400, s8;
	s16 =	sadd.s32 s15, s3;
	[dreg:$0xe] =	wrdreg s17  }
0x16: {  	[dreg:$0xf] =	wrdreg s7;
	s12 =	sadd.s32 $0xC600, s12;
	s13 =	sadd.s32 s1, s11  }
0x17: {  	s17 =	simm.s32 $0x5;
	s1 =	simm.s32 $0x1;
	s6 =	sadd.s32 s6, s0  }
0x18: {  	s9 =	sshrl.u32 s9, $0x3;
	[dreg:$0xc] =	wrdreg s8;
	s18 =	sadd.s32 $0x1400, s16  }
0x19: {  	s10 =	sadd.s32 $0x2800, s16;
	s19 =	smax.u32 s5, $0x1;
	s5 =	simm.s32 $0x700  }
0x1a: {  	s8 =	simm.s32 $0x0;
	s0 =	sadd.s32 s9, s0;
	[dreg:$0x10] =	wrdreg s18  }
0x1b: {  	s6 =	sadd.s32 $0x16600, s6;
	[dreg:$0x13] =	wrdreg s19;
	s18 =	simm.s32 $0x4  }
0x1c: {  	s19 =	simm.s32 $0x380;
	[dreg:$0xd] =	wrdreg s6;
	s6 =	sadd.s32 $0x3C00, s16  }
0x1d: {  	s0 =	sadd.s32 $0x2A600, s0;
	s16 =	simm.s32 $0x2;
	[dreg:$0x11] =	wrdreg s6  }
0x1e: {  	v0 =	vimm.f32 $0.0e+00;
	[dreg:$0x12] =	wrdreg s0;
	s0 =	simm.s32 $0x3800;
	s6 =	simm.s32 $0x780  }
.LBB2_1:
0x1f: {  	[dreg:$0x14] =	wrdreg s8  }
0x20: {  	s7 =	rddreg [dreg:$0xc];
	s14 =	simm.s32 $0xD400  }
0x21: {  	[tilespmem:s14], [sflag:$0x5] =	stream.linear.gather [hbm4b:s7+s4], $0x2800, $0x38;
	[tilespmem:$0x1EC00] =	vst v63  }
0x22: {  	_ =	swait.ge [sflag:s17], $0x2800  }
0x23: {  	s21 =	simm.s32 $0x20;
	s9 =	simm.s32 $0x40;
	[sflag:s17] =	ssyncset.done $0x0  }
0x24: {  	s11 =	simm.s32 $0xFC00;
	s15 =	rddreg [dreg:$0xd];
	[sflag:s17] =	ssyncadd.s32 $0xFFFFD800  }
0x25: {  	[tilespmem:s11], [sflag:$0x5] =	stream.strided.gather [hbm4b:s15+s21], $0x5000, s9, s21, $0x38;
	[tilespmem:$0x1EC00] =	vst v63  }
0x26: {  	_ =	swait.ge [sflag:s17], $0x5000  }
0x27: {  	[sflag:s17] =	ssyncset.done $0x0  }
0x28: {  	s7 =	simm.s32 $0x0;
	[sflag:s17] =	ssyncadd.s32 $0xFFFFB000  }
0x29: {  	v1 =	vld [tilespmem:s7+$0xFC10]  }
0x2a: {  	v2 =	vld [tilespmem:s7+$0xFC00]  }
0x2b: {  	s9 =	simm.s32 $0x80  }
.LBB2_2:
0x2c: {  	p0 =	sne.s32 s9, $0x13F80  }
.Ltmp0:
0x2d: {  	_ = 	snop;
	(pc) =	sbr.rel @p0 .LBB2_2-.Ltmp0, $4  }
0x2e: {  	s11 =	sshra.s32 s9, $0x2;
	v3 =	vmul.f32 $1.000000000e+01, v1  }
0x2f: {  	v1 =	vld [tilespmem:s11+$0xFC10];
	v4 =	vmul.f32 $1.000000000e+01, v2  }
0x30: {  	v2 =	vld [tilespmem:s11+$0xFC00];
	[tilespmem:s7+$0x8410] =	vst v3  }
0x31: {  	s9 =	sadd.s32 $0x80, s9;
	[tilespmem:s7+$0x8400] =	vst v4;
	s7 =	smov.u32 s11  }
0x32: {  	_ =	sdelay $0x1  }
0x33: {  	v1 =	vmul.f32 $1.000000000e+01, v1  }
0x34: {  	v2 =	vmul.f32 $1.000000000e+01, v2  }
0x35: {  	[tilespmem:s7+$0x8410] =	vst v1  }
0x36: {  	s21 =	rddreg [dreg:$0xe];
	s8 =	simm.s32 $0x8400;
	[tilespmem:s7+$0x8400] =	vst v2  }
0x37: {  	[spmem:s21] =	stream.linear.scatter [tilespmem:s8], [sflag:$0x5], $0x5000, $0x38;
	[tilespmem:$0x1EC00] =	vst v63  }
0x38: {  	_ =	swait.ge [sflag:s17], $0x5000  }
0x39: {  	[sflag:s17] =	ssyncset.done $0x0  }
0x3a: {  	s9 =	simm.s32 $0x0;
	s7 =	simm.s32 $0x80;
	[sflag:s17] =	ssyncadd.s32 $0xFFFFB000  }
.LBB2_4:
0x3b: {  	p0 =	sne.s32 s7, $0x4F80;
	[tilespmem:s9+$0x4800] =	vst v0;
	s11 =	smov.u32 s7;
	s7 =	sadd.s32 $0x80, s7  }
.Ltmp1:
0x3c: {  	[tilespmem:s9+$0x4810] =	vst v0;
	(pc) =	sbr.rel @p0 .LBB2_4-.Ltmp1, $2  }
0x3d: {  	_ =	sdelay $0x2  }
0x3e: {  	s9 =	sshra.s32 s11, $0x2  }
0x3f: {  	[tilespmem:s9+$0x4800] =	vst v0  }
0x40: {  	[tilespmem:s9+$0x4810] =	vst v0;
	s7 =	rddreg [dreg:$0xf]  }
0x41: {  	[spmem:s7] =	stream.linear.scatter [tilespmem:s22], [sflag:$0x5], $0x1400, $0x38;
	[tilespmem:$0x1EC00] =	vst v63  }
0x42: {  	_ =	swait.ge [sflag:s17], $0x1400  }
0x43: {  	[sflag:s17] =	ssyncset.done $0x0  }
0x44: {  	s15 =	rddreg [dreg:$0x10];
	[sflag:s17] =	ssyncadd.s32 $0xFFFFEC00  }
0x45: {  	[spmem:s15] =	stream.linear.scatter [tilespmem:s22], [sflag:$0x5], $0x1400, $0x38;
	[tilespmem:$0x1EC00] =	vst v63  }
0x46: {  	_ =	swait.ge [sflag:s17], $0x1400  }
0x47: {  	[sflag:s17] =	ssyncset.done $0x0  }
0x48: {  	[sflag:s17] =	ssyncadd.s32 $0xFFFFEC00  }
0x49: {  	[spmem:s10] =	stream.linear.scatter [tilespmem:s22], [sflag:$0x5], $0x1400, $0x38;
	[tilespmem:$0x1EC00] =	vst v63  }
0x4a: {  	_ =	swait.ge [sflag:s17], $0x1400  }
0x4b: {  	[sflag:s17] =	ssyncset.done $0x0  }
0x4c: {  	s21 =	rddreg [dreg:$0x11];
	[sflag:s17] =	ssyncadd.s32 $0xFFFFEC00  }
0x4d: {  	[spmem:s21] =	stream.linear.scatter [tilespmem:s22], [sflag:$0x5], $0x1400, $0x38;
	[tilespmem:$0x1EC00] =	vst v63  }
0x4e: {  	_ =	swait.ge [sflag:s17], $0x1400  }
0x4f: {  	[sflag:s17] =	ssyncset.done $0x0  }
0x50: {  	[sflag:s17] =	ssyncadd.s32 $0xFFFFEC00  }
0x51: {  	s21 =	simm.s32 $0x0;
	[bflag:$0x0] =	sbarrier.arrive $0xFFFF  }
.LBB2_6:
0x52: {  	s7 =	simm.s32 $0x0  }
0x53: {  	[tilespmem:s7], [sflag:$0x3] =	stream.linear.gather [hbm4b:s12+s7], $0x200, $0x38;
	[tilespmem:$0x1EC00] =	vst v63  }
0x54: {  	s9 =	sadd.s32 $0x0, s12  }
0x55: {  	[tilespmem:s23], [sflag:$0x3] =	stream.linear.gather [hbm4b:s13+s7], $0x200, $0x38;
	[tilespmem:$0x1EC00] =	vst v63  }
0x56: {  	s7 =	sadd.s32 $0x40, s9;
	s9 =	sadd.s32 $0x0, s13  }
0x57: {  	[tilespmem:s24], [sflag:$0x4] =	stream.linear.gather [hbm4b:s7+s4], $0x200, $0x38;
	[tilespmem:$0x1EC00] =	vst v63  }
0x58: {  	s11 =	sadd.s32 $0x40, s9  }
0x59: {  	[tilespmem:s25], [sflag:$0x4] =	stream.linear.gather [hbm4b:s11+s4], $0x200, $0x38;
	[tilespmem:$0x1EC00] =	vst v63  }
0x5a: {  	_ =	swait.ge [sflag:s26], $0x200  }
0x5b: {  	[sflag:s26] =	ssyncset.done $0x0  }
0x5c: {  	[sflag:s26] =	ssyncadd.s32 $0xFFFFFE00  }
0x5d: {  	_ =	swait.ge [sflag:s26], $0x200  }
0x5e: {  	[sflag:s26] =	ssyncset.done $0x0  }
0x5f: {  	[sflag:s26] =	ssyncadd.s32 $0xFFFFFE00  }
0x60: {  	[tilespmem:s29], [sflag:$0x1] =	stream.indirect.gather [spmem:s2], $0x20, s4, s28, $0xb8;
	[tilespmem:$0x1EC00] =	vst v63  }
0x61: {  	_ = 	snop  }
0x62: {  	[tilespmem:s30], [sflag:$0x1] =	stream.indirect.gather [spmem:s2], $0x20, s28, s28, $0xb8;
	[tilespmem:$0x1EC00] =	vst v63  }
0x63: {  	s14 =	rddreg [dreg:$0x5]  }
0x64: {  	[tilespmem:s31], [sflag:$0x1] =	stream.indirect.gather [spmem:s2], $0x20, s14, s28, $0xb8;
	[tilespmem:$0x1EC00] =	vst v63  }
0x65: {  	s15 =	rddreg [dreg:$0x6]  }
0x66: {  	[tilespmem:s0], [sflag:$0x1] =	stream.indirect.gather [spmem:s2], $0x20, s15, s28, $0xb8;
	[tilespmem:$0x1EC00] =	vst v63  }
0x67: {  	_ =	swait.ge [sflag:s1], $0x1000  }
0x68: {  	[sflag:s1] =	ssyncset.done $0x0  }
0x69: {  	[sflag:s1] =	ssyncadd.s32 $0xFFFFF000  }
0x6a: {  	[spmem:s3] =	stream.indirect.scatter.add.f32 [tilespmem:s29], [sflag:$0x2], $0x20, s23, s28, $0xb8;
	[tilespmem:$0x1EC00] =	vst v63  }
0x6b: {  	_ =	swait.ge [sflag:s1], $0x1000  }
0x6c: {  	[sflag:s1] =	ssyncset.done $0x0  }
0x6d: {  	s8 =	rddreg [dreg:$0x7];
	[sflag:s1] =	ssyncadd.s32 $0xFFFFF000  }
0x6e: {  	[spmem:s3] =	stream.indirect.scatter.add.f32 [tilespmem:s30], [sflag:$0x2], $0x20, s8, s28, $0xb8;
	[tilespmem:$0x1EC00] =	vst v63  }
0x6f: {  	_ =	swait.ge [sflag:s1], $0x1000  }
0x70: {  	[sflag:s1] =	ssyncset.done $0x0  }
0x71: {  	s9 =	rddreg [dreg:$0x8];
	[sflag:s1] =	ssyncadd.s32 $0xFFFFF000  }
0x72: {  	[spmem:s3] =	stream.indirect.scatter.add.f32 [tilespmem:s31], [sflag:$0x2], $0x20, s9, s28, $0xb8;
	[tilespmem:$0x1EC00] =	vst v63  }
0x73: {  	_ =	swait.ge [sflag:s1], $0x1000  }
0x74: {  	[sflag:s1] =	ssyncset.done $0x0  }
0x75: {  	s11 =	rddreg [dreg:$0x9];
	[sflag:s1] =	ssyncadd.s32 $0xFFFFF000  }
0x76: {  	[spmem:s3] =	stream.indirect.scatter.add.f32 [tilespmem:s0], [sflag:$0x2], $0x20, s11, s28, $0xb8;
	[tilespmem:$0x1EC00] =	vst v63  }
0x77: {  	_ =	swait.ge [sflag:s16], $0x1000  }
0x78: {  	[sflag:s16] =	ssyncset.done $0x0  }
0x79: {  	[sflag:s16] =	ssyncadd.s32 $0xFFFFF000  }
0x7a: {  	_ =	swait.ge [sflag:s16], $0x1000  }
0x7b: {  	[sflag:s16] =	ssyncset.done $0x0  }
0x7c: {  	[sflag:s16] =	ssyncadd.s32 $0xFFFFF000  }
0x7d: {  	_ =	swait.ge [sflag:s16], $0x1000  }
0x7e: {  	[sflag:s16] =	ssyncset.done $0x0  }
0x7f: {  	p0 =	por $0x0, $0x0;
	[sflag:s16] =	ssyncadd.s32 $0xFFFFF000  }
0x80: {  	s7 =	sadd.s32 @!p0 $0x0, s12;
	_ =	swait.ge [sflag:s16], $0x1000  }
0x81: {  	s7 =	sadd.s32 @!p0 $0x80, s7;
	[sflag:s16] =	ssyncset.done $0x0  }
0x82: {  	s9 =	sadd.s32 @!p0 $0x0, s13;
	s11 =	simm.s32 @!p0 $0x0;
	[sflag:s16] =	ssyncadd.s32 $0xFFFFF000  }
0x83: {  	[tilespmem:s11], [sflag:$0x3] =	stream.linear.gather @!p0 [hbm4b:s7+s11], $0x200, $0x38;
	[tilespmem:$0x1EC00] =	vst v63  }
0x84: {  	s7 =	sadd.s32 @!p0 $0x80, s9;
	s9 =	simm.s32 @!p0 $0x400  }
0x85: {  	[tilespmem:s9], [sflag:$0x3] =	stream.linear.gather @!p0 [hbm4b:s7+s11], $0x200, $0x38;
	[tilespmem:$0x1EC00] =	vst v63  }
0x86: {  	_ =	swait.ge [sflag:s18], $0x200  }
0x87: {  	[sflag:s18] =	ssyncset.done $0x0  }
0x88: {  	[sflag:s18] =	ssyncadd.s32 $0xFFFFFE00  }
0x89: {  	_ =	swait.ge [sflag:s18], $0x200  }
0x8a: {  	[sflag:s18] =	ssyncset.done $0x0  }
0x8b: {  	[sflag:s18] =	ssyncadd.s32 $0xFFFFFE00  }
0x8c: {  	[tilespmem:s29], [sflag:$0x1] =	stream.indirect.gather [spmem:s2], $0x20, s24, s28, $0xb8;
	[tilespmem:$0x1EC00] =	vst v63  }
0x8d: {  	s14 =	rddreg [dreg:$0xa]  }
0x8e: {  	[tilespmem:s30], [sflag:$0x1] =	stream.indirect.gather [spmem:s2], $0x20, s14, s28, $0xb8;
	[tilespmem:$0x1EC00] =	vst v63  }
0x8f: {  	s15 =	rddreg [dreg:$0xb]  }
0x90: {  	[tilespmem:s31], [sflag:$0x1] =	stream.indirect.gather [spmem:s2], $0x20, s15, s28, $0xb8;
	[tilespmem:$0x1EC00] =	vst v63  }
0x91: {  	_ = 	snop  }
0x92: {  	[tilespmem:s0], [sflag:$0x1] =	stream.indirect.gather [spmem:s2], $0x20, s19, s28, $0xb8;
	[tilespmem:$0x1EC00] =	vst v63  }
0x93: {  	_ =	swait.ge [sflag:s1], $0x1000  }
0x94: {  	[sflag:s1] =	ssyncset.done $0x0  }
0x95: {  	[sflag:s1] =	ssyncadd.s32 $0xFFFFF000  }
0x96: {  	[spmem:s3] =	stream.indirect.scatter.add.f32 [tilespmem:s29], [sflag:$0x2], $0x20, s25, s28, $0xb8;
	[tilespmem:$0x1EC00] =	vst v63  }
0x97: {  	_ =	swait.ge [sflag:s1], $0x1000  }
0x98: {  	[sflag:s1] =	ssyncset.done $0x0  }
0x99: {  	[sflag:s1] =	ssyncadd.s32 $0xFFFFF000  }
0x9a: {  	[spmem:s3] =	stream.indirect.scatter.add.f32 [tilespmem:s30], [sflag:$0x2], $0x20, s20, s28, $0xb8;
	[tilespmem:$0x1EC00] =	vst v63  }
0x9b: {  	_ =	swait.ge [sflag:s1], $0x1000  }
0x9c: {  	[sflag:s1] =	ssyncset.done $0x0  }
0x9d: {  	[sflag:s1] =	ssyncadd.s32 $0xFFFFF000  }
0x9e: {  	[spmem:s3] =	stream.indirect.scatter.add.f32 [tilespmem:s31], [sflag:$0x2], $0x20, s5, s28, $0xb8;
	[tilespmem:$0x1EC00] =	vst v63  }
0x9f: {  	_ =	swait.ge [sflag:s1], $0x1000  }
0xa0: {  	[sflag:s1] =	ssyncset.done $0x0  }
0xa1: {  	[sflag:s1] =	ssyncadd.s32 $0xFFFFF000  }
0xa2: {  	[spmem:s3] =	stream.indirect.scatter.add.f32 [tilespmem:s0], [sflag:$0x2], $0x20, s6, s28, $0xb8;
	[tilespmem:$0x1EC00] =	vst v63  }
0xa3: {  	_ =	swait.ge [sflag:s16], $0x1000  }
0xa4: {  	[sflag:s16] =	ssyncset.done $0x0  }
0xa5: {  	[sflag:s16] =	ssyncadd.s32 $0xFFFFF000  }
0xa6: {  	_ =	swait.ge [sflag:s16], $0x1000  }
0xa7: {  	[sflag:s16] =	ssyncset.done $0x0  }
0xa8: {  	[sflag:s16] =	ssyncadd.s32 $0xFFFFF000  }
0xa9: {  	_ =	swait.ge [sflag:s16], $0x1000  }
0xaa: {  	[sflag:s16] =	ssyncset.done $0x0  }
0xab: {  	[sflag:s16] =	ssyncadd.s32 $0xFFFFF000  }
0xac: {  	s7 =	simm.s32 $0x80;
	_ =	swait.ge [sflag:s16], $0x1000  }
0xad: {  	s9 =	simm.s32 $0x100;
	s11 =	sadd.s32 $0x80, s12;
	[sflag:s16] =	ssyncset.done $0x0  }
.LBB2_7:
0xae: {  	s11 =	sadd.s32 $0x40, s11;
	s14 =	sadd.s32 s7, s13;
	[sflag:s16] =	ssyncadd.s32 $0xFFFFF000  }
0xaf: {  	[tilespmem:s24], [sflag:$0x4] =	stream.linear.gather [hbm4b:s11+s4], $0x200, $0x38;
	[tilespmem:$0x1EC00] =	vst v63  }
0xb0: {  	s14 =	sadd.s32 $0x40, s14  }
0xb1: {  	[tilespmem:s25], [sflag:$0x4] =	stream.linear.gather [hbm4b:s14+s4], $0x200, $0x38;
	[tilespmem:$0x1EC00] =	vst v63  }
0xb2: {  	_ =	swait.ge [sflag:s26], $0x200  }
0xb3: {  	[sflag:s26] =	ssyncset.done $0x0  }
0xb4: {  	[sflag:s26] =	ssyncadd.s32 $0xFFFFFE00  }
0xb5: {  	_ =	swait.ge [sflag:s26], $0x200  }
0xb6: {  	[sflag:s26] =	ssyncset.done $0x0  }
0xb7: {  	[sflag:s26] =	ssyncadd.s32 $0xFFFFFE00  }
0xb8: {  	[tilespmem:s29], [sflag:$0x1] =	stream.indirect.gather [spmem:s2], $0x20, s4, s28, $0xb8;
	[tilespmem:$0x1EC00] =	vst v63  }
0xb9: {  	_ = 	snop  }
0xba: {  	[tilespmem:s30], [sflag:$0x1] =	stream.indirect.gather [spmem:s2], $0x20, s28, s28, $0xb8;
	[tilespmem:$0x1EC00] =	vst v63  }
0xbb: {  	s8 =	rddreg [dreg:$0x5]  }
0xbc: {  	[tilespmem:s31], [sflag:$0x1] =	stream.indirect.gather [spmem:s2], $0x20, s8, s28, $0xb8;
	[tilespmem:$0x1EC00] =	vst v63  }
0xbd: {  	s15 =	rddreg [dreg:$0x6]  }
0xbe: {  	[tilespmem:s0], [sflag:$0x1] =	stream.indirect.gather [spmem:s2], $0x20, s15, s28, $0xb8;
	[tilespmem:$0x1EC00] =	vst v63  }
0xbf: {  	_ =	swait.ge [sflag:s1], $0x1000  }
0xc0: {  	[sflag:s1] =	ssyncset.done $0x0  }
0xc1: {  	[sflag:s1] =	ssyncadd.s32 $0xFFFFF000  }
0xc2: {  	[spmem:s3] =	stream.indirect.scatter.add.f32 [tilespmem:s29], [sflag:$0x2], $0x20, s23, s28, $0xb8;
	[tilespmem:$0x1EC00] =	vst v63  }
0xc3: {  	_ =	swait.ge [sflag:s1], $0x1000  }
0xc4: {  	[sflag:s1] =	ssyncset.done $0x0  }
0xc5: {  	s8 =	rddreg [dreg:$0x7];
	[sflag:s1] =	ssyncadd.s32 $0xFFFFF000  }
0xc6: {  	[spmem:s3] =	stream.indirect.scatter.add.f32 [tilespmem:s30], [sflag:$0x2], $0x20, s8, s28, $0xb8;
	[tilespmem:$0x1EC00] =	vst v63  }
0xc7: {  	_ =	swait.ge [sflag:s1], $0x1000  }
0xc8: {  	[sflag:s1] =	ssyncset.done $0x0  }
0xc9: {  	s15 =	rddreg [dreg:$0x8];
	[sflag:s1] =	ssyncadd.s32 $0xFFFFF000  }
0xca: {  	[spmem:s3] =	stream.indirect.scatter.add.f32 [tilespmem:s31], [sflag:$0x2], $0x20, s15, s28, $0xb8;
	[tilespmem:$0x1EC00] =	vst v63  }
0xcb: {  	_ =	swait.ge [sflag:s1], $0x1000  }
0xcc: {  	[sflag:s1] =	ssyncset.done $0x0  }
0xcd: {  	s8 =	rddreg [dreg:$0x9];
	[sflag:s1] =	ssyncadd.s32 $0xFFFFF000  }
0xce: {  	[spmem:s3] =	stream.indirect.scatter.add.f32 [tilespmem:s0], [sflag:$0x2], $0x20, s8, s28, $0xb8;
	[tilespmem:$0x1EC00] =	vst v63  }
0xcf: {  	_ =	swait.ge [sflag:s16], $0x1000  }
0xd0: {  	[sflag:s16] =	ssyncset.done $0x0  }
0xd1: {  	[sflag:s16] =	ssyncadd.s32 $0xFFFFF000  }
0xd2: {  	_ =	swait.ge [sflag:s16], $0x1000  }
0xd3: {  	[sflag:s16] =	ssyncset.done $0x0  }
0xd4: {  	[sflag:s16] =	ssyncadd.s32 $0xFFFFF000  }
0xd5: {  	_ =	swait.ge [sflag:s16], $0x1000  }
0xd6: {  	[sflag:s16] =	ssyncset.done $0x0  }
0xd7: {  	[sflag:s16] =	ssyncadd.s32 $0xFFFFF000  }
0xd8: {  	p1 =	seq.s32 s7, $0x980;
	_ =	swait.ge [sflag:s16], $0x1000  }
0xd9: {  	s14 =	sadd.s32 @!p1 s7, s12;
	s7 =	sadd.s32 @!p1 s7, s13;
	[sflag:s16] =	ssyncset.done $0x0  }
0xda: {  	s14 =	sadd.s32 @!p1 $0x80, s14;
	s15 =	simm.s32 @!p1 $0x0;
	[sflag:s16] =	ssyncadd.s32 $0xFFFFF000  }
0xdb: {  	[tilespmem:s15], [sflag:$0x3] =	stream.linear.gather @!p1 [hbm4b:s14+s15], $0x200, $0x38;
	[tilespmem:$0x1EC00] =	vst v63  }
0xdc: {  	s8 =	simm.s32 @!p1 $0x400;
	s14 =	sadd.s32 @!p1 $0x80, s7  }
0xdd: {  	[tilespmem:s8], [sflag:$0x3] =	stream.linear.gather @!p1 [hbm4b:s14+s15], $0x200, $0x38;
	[tilespmem:$0x1EC00] =	vst v63  }
0xde: {  	_ =	swait.ge [sflag:s18], $0x200  }
0xdf: {  	[sflag:s18] =	ssyncset.done $0x0  }
0xe0: {  	[sflag:s18] =	ssyncadd.s32 $0xFFFFFE00  }
0xe1: {  	_ =	swait.ge [sflag:s18], $0x200  }
0xe2: {  	[sflag:s18] =	ssyncset.done $0x0  }
0xe3: {  	[sflag:s18] =	ssyncadd.s32 $0xFFFFFE00  }
0xe4: {  	[tilespmem:s29], [sflag:$0x1] =	stream.indirect.gather [spmem:s2], $0x20, s24, s28, $0xb8;
	[tilespmem:$0x1EC00] =	vst v63  }
0xe5: {  	s14 =	rddreg [dreg:$0xa]  }
0xe6: {  	[tilespmem:s30], [sflag:$0x1] =	stream.indirect.gather [spmem:s2], $0x20, s14, s28, $0xb8;
	[tilespmem:$0x1EC00] =	vst v63  }
0xe7: {  	s15 =	rddreg [dreg:$0xb]  }
0xe8: {  	[tilespmem:s31], [sflag:$0x1] =	stream.indirect.gather [spmem:s2], $0x20, s15, s28, $0xb8;
	[tilespmem:$0x1EC00] =	vst v63  }
0xe9: {  	_ = 	snop  }
0xea: {  	[tilespmem:s0], [sflag:$0x1] =	stream.indirect.gather [spmem:s2], $0x20, s19, s28, $0xb8;
	[tilespmem:$0x1EC00] =	vst v63  }
0xeb: {  	_ =	swait.ge [sflag:s1], $0x1000  }
0xec: {  	[sflag:s1] =	ssyncset.done $0x0  }
0xed: {  	[sflag:s1] =	ssyncadd.s32 $0xFFFFF000  }
0xee: {  	[spmem:s3] =	stream.indirect.scatter.add.f32 [tilespmem:s29], [sflag:$0x2], $0x20, s25, s28, $0xb8;
	[tilespmem:$0x1EC00] =	vst v63  }
0xef: {  	_ =	swait.ge [sflag:s1], $0x1000  }
0xf0: {  	[sflag:s1] =	ssyncset.done $0x0  }
0xf1: {  	[sflag:s1] =	ssyncadd.s32 $0xFFFFF000  }
0xf2: {  	[spmem:s3] =	stream.indirect.scatter.add.f32 [tilespmem:s30], [sflag:$0x2], $0x20, s20, s28, $0xb8;
	[tilespmem:$0x1EC00] =	vst v63  }
0xf3: {  	_ =	swait.ge [sflag:s1], $0x1000  }
0xf4: {  	[sflag:s1] =	ssyncset.done $0x0  }
0xf5: {  	[sflag:s1] =	ssyncadd.s32 $0xFFFFF000  }
0xf6: {  	[spmem:s3] =	stream.indirect.scatter.add.f32 [tilespmem:s31], [sflag:$0x2], $0x20, s5, s28, $0xb8;
	[tilespmem:$0x1EC00] =	vst v63  }
0xf7: {  	_ =	swait.ge [sflag:s1], $0x1000  }
0xf8: {  	[sflag:s1] =	ssyncset.done $0x0  }
0xf9: {  	[sflag:s1] =	ssyncadd.s32 $0xFFFFF000  }
0xfa: {  	[spmem:s3] =	stream.indirect.scatter.add.f32 [tilespmem:s0], [sflag:$0x2], $0x20, s6, s28, $0xb8;
	[tilespmem:$0x1EC00] =	vst v63  }
0xfb: {  	_ =	swait.ge [sflag:s16], $0x1000  }
0xfc: {  	[sflag:s16] =	ssyncset.done $0x0  }
0xfd: {  	[sflag:s16] =	ssyncadd.s32 $0xFFFFF000  }
0xfe: {  	_ =	swait.ge [sflag:s16], $0x1000  }
0xff: {  	s11 =	smov.u32 s9;
	s9 =	sadd.s32 $0x80, s9;
	[sflag:s16] =	ssyncset.done $0x0  }
0x100: {  	p0 =	sne.s32 s9, $0xA00;
	[sflag:s16] =	ssyncadd.s32 $0xFFFFF000  }
.Ltmp2:
0x101: {  	_ =	swait.ge [sflag:s16], $0x1000;
	(pc) =	sbr.rel @p0 .LBB2_7-.Ltmp2, $4  }
0x102: {  	[sflag:s16] =	ssyncset.done $0x0  }
0x103: {  	[sflag:s16] =	ssyncadd.s32 $0xFFFFF000  }
0x104: {  	s7 =	smov.u32 s11;
	_ =	swait.ge [sflag:s16], $0x1000  }
0x105: {  	s11 =	sadd.s32 s7, s12;
	[sflag:s16] =	ssyncset.done $0x0  }
0x106: {  	s8 =	sadd.s32 $0x40, s11;
	s9 =	sadd.s32 s7, s13;
	[sflag:s16] =	ssyncadd.s32 $0xFFFFF000  }
0x107: {  	[tilespmem:s24], [sflag:$0x4] =	stream.linear.gather [hbm4b:s8+s4], $0x200, $0x38;
	[tilespmem:$0x1EC00] =	vst v63  }
0x108: {  	s9 =	sadd.s32 $0x40, s9  }
0x109: {  	[tilespmem:s25], [sflag:$0x4] =	stream.linear.gather [hbm4b:s9+s4], $0x200, $0x38;
	[tilespmem:$0x1EC00] =	vst v63  }
0x10a: {  	_ =	swait.ge [sflag:s26], $0x200  }
0x10b: {  	[sflag:s26] =	ssyncset.done $0x0  }
0x10c: {  	[sflag:s26] =	ssyncadd.s32 $0xFFFFFE00  }
0x10d: {  	_ =	swait.ge [sflag:s26], $0x200  }
0x10e: {  	[sflag:s26] =	ssyncset.done $0x0  }
0x10f: {  	[sflag:s26] =	ssyncadd.s32 $0xFFFFFE00  }
0x110: {  	[tilespmem:s29], [sflag:$0x1] =	stream.indirect.gather [spmem:s2], $0x20, s4, s28, $0xb8;
	[tilespmem:$0x1EC00] =	vst v63  }
0x111: {  	_ = 	snop  }
0x112: {  	[tilespmem:s30], [sflag:$0x1] =	stream.indirect.gather [spmem:s2], $0x20, s28, s28, $0xb8;
	[tilespmem:$0x1EC00] =	vst v63  }
0x113: {  	s11 =	rddreg [dreg:$0x5]  }
0x114: {  	[tilespmem:s31], [sflag:$0x1] =	stream.indirect.gather [spmem:s2], $0x20, s11, s28, $0xb8;
	[tilespmem:$0x1EC00] =	vst v63  }
0x115: {  	s14 =	rddreg [dreg:$0x6]  }
0x116: {  	[tilespmem:s0], [sflag:$0x1] =	stream.indirect.gather [spmem:s2], $0x20, s14, s28, $0xb8;
	[tilespmem:$0x1EC00] =	vst v63  }
0x117: {  	_ =	swait.ge [sflag:s1], $0x1000  }
0x118: {  	[sflag:s1] =	ssyncset.done $0x0  }
0x119: {  	[sflag:s1] =	ssyncadd.s32 $0xFFFFF000  }
0x11a: {  	[spmem:s3] =	stream.indirect.scatter.add.f32 [tilespmem:s29], [sflag:$0x2], $0x20, s23, s28, $0xb8;
	[tilespmem:$0x1EC00] =	vst v63  }
0x11b: {  	_ =	swait.ge [sflag:s1], $0x1000  }
0x11c: {  	[sflag:s1] =	ssyncset.done $0x0  }
0x11d: {  	s15 =	rddreg [dreg:$0x7];
	[sflag:s1] =	ssyncadd.s32 $0xFFFFF000  }
0x11e: {  	[spmem:s3] =	stream.indirect.scatter.add.f32 [tilespmem:s30], [sflag:$0x2], $0x20, s15, s28, $0xb8;
	[tilespmem:$0x1EC00] =	vst v63  }
0x11f: {  	_ =	swait.ge [sflag:s1], $0x1000  }
0x120: {  	[sflag:s1] =	ssyncset.done $0x0  }
0x121: {  	s9 =	rddreg [dreg:$0x8];
	[sflag:s1] =	ssyncadd.s32 $0xFFFFF000  }
0x122: {  	[spmem:s3] =	stream.indirect.scatter.add.f32 [tilespmem:s31], [sflag:$0x2], $0x20, s9, s28, $0xb8;
	[tilespmem:$0x1EC00] =	vst v63  }
0x123: {  	_ =	swait.ge [sflag:s1], $0x1000  }
0x124: {  	[sflag:s1] =	ssyncset.done $0x0  }
0x125: {  	s11 =	rddreg [dreg:$0x9];
	[sflag:s1] =	ssyncadd.s32 $0xFFFFF000  }
0x126: {  	[spmem:s3] =	stream.indirect.scatter.add.f32 [tilespmem:s0], [sflag:$0x2], $0x20, s11, s28, $0xb8;
	[tilespmem:$0x1EC00] =	vst v63  }
0x127: {  	_ =	swait.ge [sflag:s16], $0x1000  }
0x128: {  	[sflag:s16] =	ssyncset.done $0x0  }
0x129: {  	[sflag:s16] =	ssyncadd.s32 $0xFFFFF000  }
0x12a: {  	_ =	swait.ge [sflag:s16], $0x1000  }
0x12b: {  	[sflag:s16] =	ssyncset.done $0x0  }
0x12c: {  	[sflag:s16] =	ssyncadd.s32 $0xFFFFF000  }
0x12d: {  	_ =	swait.ge [sflag:s16], $0x1000  }
0x12e: {  	[sflag:s16] =	ssyncset.done $0x0  }
0x12f: {  	[sflag:s16] =	ssyncadd.s32 $0xFFFFF000  }
0x130: {  	p0 =	seq.s32 s7, $0x980;
	_ =	swait.ge [sflag:s16], $0x1000  }
0x131: {  	s8 =	sadd.s32 @!p0 s7, s12;
	s7 =	sadd.s32 @!p0 s7, s13;
	[sflag:s16] =	ssyncset.done $0x0  }
0x132: {  	s8 =	sadd.s32 @!p0 $0x80, s8;
	s9 =	simm.s32 @!p0 $0x0;
	[sflag:s16] =	ssyncadd.s32 $0xFFFFF000  }
0x133: {  	[tilespmem:s9], [sflag:$0x3] =	stream.linear.gather @!p0 [hbm4b:s8+s9], $0x200, $0x38;
	[tilespmem:$0x1EC00] =	vst v63  }
0x134: {  	s7 =	sadd.s32 @!p0 $0x80, s7;
	s8 =	simm.s32 @!p0 $0x400  }
0x135: {  	[tilespmem:s8], [sflag:$0x3] =	stream.linear.gather @!p0 [hbm4b:s7+s9], $0x200, $0x38;
	[tilespmem:$0x1EC00] =	vst v63  }
0x136: {  	_ =	swait.ge [sflag:s18], $0x200  }
0x137: {  	[sflag:s18] =	ssyncset.done $0x0  }
0x138: {  	[sflag:s18] =	ssyncadd.s32 $0xFFFFFE00  }
0x139: {  	_ =	swait.ge [sflag:s18], $0x200  }
0x13a: {  	[sflag:s18] =	ssyncset.done $0x0  }
0x13b: {  	[sflag:s18] =	ssyncadd.s32 $0xFFFFFE00  }
0x13c: {  	[tilespmem:s29], [sflag:$0x1] =	stream.indirect.gather [spmem:s2], $0x20, s24, s28, $0xb8;
	[tilespmem:$0x1EC00] =	vst v63  }
0x13d: {  	s14 =	rddreg [dreg:$0xa]  }
0x13e: {  	[tilespmem:s30], [sflag:$0x1] =	stream.indirect.gather [spmem:s2], $0x20, s14, s28, $0xb8;
	[tilespmem:$0x1EC00] =	vst v63  }
0x13f: {  	s15 =	rddreg [dreg:$0xb]  }
0x140: {  	[tilespmem:s31], [sflag:$0x1] =	stream.indirect.gather [spmem:s2], $0x20, s15, s28, $0xb8;
	[tilespmem:$0x1EC00] =	vst v63  }
0x141: {  	_ = 	snop  }
0x142: {  	[tilespmem:s0], [sflag:$0x1] =	stream.indirect.gather [spmem:s2], $0x20, s19, s28, $0xb8;
	[tilespmem:$0x1EC00] =	vst v63  }
0x143: {  	_ =	swait.ge [sflag:s1], $0x1000  }
0x144: {  	[sflag:s1] =	ssyncset.done $0x0  }
0x145: {  	[sflag:s1] =	ssyncadd.s32 $0xFFFFF000  }
0x146: {  	[spmem:s3] =	stream.indirect.scatter.add.f32 [tilespmem:s29], [sflag:$0x2], $0x20, s25, s28, $0xb8;
	[tilespmem:$0x1EC00] =	vst v63  }
0x147: {  	_ =	swait.ge [sflag:s1], $0x1000  }
0x148: {  	[sflag:s1] =	ssyncset.done $0x0  }
0x149: {  	[sflag:s1] =	ssyncadd.s32 $0xFFFFF000  }
0x14a: {  	[spmem:s3] =	stream.indirect.scatter.add.f32 [tilespmem:s30], [sflag:$0x2], $0x20, s20, s28, $0xb8;
	[tilespmem:$0x1EC00] =	vst v63  }
0x14b: {  	_ =	swait.ge [sflag:s1], $0x1000  }
0x14c: {  	[sflag:s1] =	ssyncset.done $0x0  }
0x14d: {  	[sflag:s1] =	ssyncadd.s32 $0xFFFFF000  }
0x14e: {  	[spmem:s3] =	stream.indirect.scatter.add.f32 [tilespmem:s31], [sflag:$0x2], $0x20, s5, s28, $0xb8;
	[tilespmem:$0x1EC00] =	vst v63  }
0x14f: {  	_ =	swait.ge [sflag:s1], $0x1000  }
0x150: {  	[sflag:s1] =	ssyncset.done $0x0  }
0x151: {  	[sflag:s1] =	ssyncadd.s32 $0xFFFFF000  }
0x152: {  	[spmem:s3] =	stream.indirect.scatter.add.f32 [tilespmem:s0], [sflag:$0x2], $0x20, s6, s28, $0xb8;
	[tilespmem:$0x1EC00] =	vst v63  }
0x153: {  	_ =	swait.ge [sflag:s16], $0x1000  }
0x154: {  	[sflag:s16] =	ssyncset.done $0x0  }
0x155: {  	[sflag:s16] =	ssyncadd.s32 $0xFFFFF000  }
0x156: {  	_ =	swait.ge [sflag:s16], $0x1000  }
0x157: {  	[sflag:s16] =	ssyncset.done $0x0  }
0x158: {  	[sflag:s16] =	ssyncadd.s32 $0xFFFFF000  }
0x159: {  	_ =	swait.ge [sflag:s16], $0x1000  }
0x15a: {  	[sflag:s16] =	ssyncset.done $0x0  }
0x15b: {  	[sflag:s16] =	ssyncadd.s32 $0xFFFFF000  }
0x15c: {  	_ =	swait.ge [sflag:s16], $0x1000  }
0x15d: {  	[sflag:s16] =	ssyncset.done $0x0  }
0x15e: {  	[sflag:s16] =	ssyncadd.s32 $0xFFFFF000  }
0x15f: {  	[bflag:$0x0] =	sbarrier.arrive $0xFFFF  }
0x160: {  	s14 =	simm.s32 $0x5C00;
	s9 =	rddreg [dreg:$0xf]  }
0x161: {  	[tilespmem:s14], [sflag:$0x5] =	stream.linear.gather [spmem:s9], $0x2800, $0x38;
	[tilespmem:$0x1EC00] =	vst v63  }
0x162: {  	_ =	swait.ge [sflag:s17], $0x2800  }
0x163: {  	[sflag:s17] =	ssyncset.done $0x0  }
0x164: {  	[sflag:s17] =	ssyncadd.s32 $0xFFFFD800  }
0x165: {  	[spmem:s9] =	stream.linear.scatter [tilespmem:s22], [sflag:$0x5], $0x1400, $0x38;
	[tilespmem:$0x1EC00] =	vst v63  }
0x166: {  	_ =	swait.ge [sflag:s17], $0x1400  }
0x167: {  	[sflag:s17] =	ssyncset.done $0x0  }
0x168: {  	s11 =	rddreg [dreg:$0x10];
	[sflag:s17] =	ssyncadd.s32 $0xFFFFEC00  }
0x169: {  	[spmem:s11] =	stream.linear.scatter [tilespmem:s22], [sflag:$0x5], $0x1400, $0x38;
	[tilespmem:$0x1EC00] =	vst v63  }
0x16a: {  	_ =	swait.ge [sflag:s17], $0x1400  }
0x16b: {  	[sflag:s17] =	ssyncset.done $0x0  }
0x16c: {  	s15 =	simm.s32 $0x0;
	[sflag:s17] =	ssyncadd.s32 $0xFFFFEC00  }
0x16d: {  	v1 =	vld [tilespmem:s15+$0x5C00]  }
0x16e: {  	v2 =	vld [tilespmem:s15+$0x5C10]  }
0x16f: {  	v3 =	vld [tilespmem:s15+$0x8410]  }
0x170: {  	s9 =	simm.s32 $0xD400;
	v4 =	vld [tilespmem:s15+$0x8400]  }
0x171: {  	v5 =	vld [tilespmem:s9+$0x0];
	_ =	sdelay $0x1  }
0x172: {  	v6 =	vld [tilespmem:s15+$0xFC10]  }
0x173: {  	v2 =	vadd.f32 v3, v2;
	v3 =	vld [tilespmem:s15+$0xFC00]  }
0x174: {  	v1 =	vadd.f32 v4, v1  }
0x175: {  	v2 =	vmul.f32 v2, v5  }
0x176: {  	v4 =	vmul.f32 v1, v5  }
0x177: {  	s7 =	simm.s32 $0x20;
	v5 =	vadd.f32 v2, v6  }
0x178: {  	v1 =	vld [tilespmem:s7+$0x5C00];
	v4 =	vadd.f32 v4, v3  }
0x179: {  	v2 =	vld [tilespmem:s7+$0x5C10];
	[tilespmem:s15+$0x8410] =	vst v5  }
0x17a: {  	s11 =	simm.s32 $0x100;
	v3 =	vld [tilespmem:s7+$0x8410];
	[tilespmem:s15+$0x8400] =	vst v4  }
.LBB2_9:
0x17b: {  	p0 =	sne.s32 s11, $0x9F80;
	v4 =	vld [tilespmem:s7+$0x8400];
	s9 =	sadd.s32 $0x10, s9  }
0x17c: {  	v5 =	vld [tilespmem:s9+$0x0];
	_ =	sdelay $0x1  }
0x17d: {  	v6 =	vld [tilespmem:s7+$0xFC10]  }
0x17e: {  	v7 =	vld [tilespmem:s7+$0xFC00];
	v2 =	vadd.f32 v3, v2  }
0x17f: {  	v1 =	vadd.f32 v4, v1  }
0x180: {  	v2 =	vmul.f32 v2, v5  }
.Ltmp3:
0x181: {  	v3 =	vmul.f32 v1, v5;
	(pc) =	sbr.rel @p0 .LBB2_9-.Ltmp3, $4  }
0x182: {  	s8 =	sshra.s32 s11, $0x2;
	v4 =	vadd.f32 v2, v6  }
0x183: {  	v1 =	vld [tilespmem:s8+$0x5C00];
	v5 =	vadd.f32 v3, v7  }
0x184: {  	v2 =	vld [tilespmem:s8+$0x5C10];
	[tilespmem:s7+$0x8410] =	vst v4  }
0x185: {  	s11 =	sadd.s32 $0x80, s11;
	v3 =	vld [tilespmem:s8+$0x8410];
	[tilespmem:s7+$0x8400] =	vst v5;
	s7 =	smov.u32 s8  }
0x186: {  	v4 =	vld [tilespmem:s7+$0x8400];
	s8 =	sadd.s32 $0x10, s9  }
0x187: {  	v5 =	vld [tilespmem:s8+$0x0];
	_ =	sdelay $0x1  }
0x188: {  	v6 =	vld [tilespmem:s7+$0xFC10]  }
0x189: {  	v7 =	vld [tilespmem:s7+$0xFC00];
	v2 =	vadd.f32 v3, v2  }
0x18a: {  	v1 =	vadd.f32 v4, v1  }
0x18b: {  	v2 =	vmul.f32 v2, v5  }
0x18c: {  	v1 =	vmul.f32 v1, v5  }
0x18d: {  	v2 =	vadd.f32 v2, v6  }
0x18e: {  	v1 =	vadd.f32 v1, v7  }
0x18f: {  	[tilespmem:s7+$0x8410] =	vst v2  }
0x190: {  	[tilespmem:s7+$0x8400] =	vst v1  }
0x191: {  	[tilespmem:s14], [sflag:$0x5] =	stream.linear.gather [spmem:s10], $0x2800, $0x38;
	[tilespmem:$0x1EC00] =	vst v63  }
0x192: {  	_ =	swait.ge [sflag:s17], $0x2800  }
0x193: {  	[sflag:s17] =	ssyncset.done $0x0  }
0x194: {  	[sflag:s17] =	ssyncadd.s32 $0xFFFFD800  }
0x195: {  	[spmem:s10] =	stream.linear.scatter [tilespmem:s22], [sflag:$0x5], $0x1400, $0x38;
	[tilespmem:$0x1EC00] =	vst v63  }
0x196: {  	_ =	swait.ge [sflag:s17], $0x1400  }
0x197: {  	[sflag:s17] =	ssyncset.done $0x0  }
0x198: {  	s14 =	rddreg [dreg:$0x11];
	[sflag:s17] =	ssyncadd.s32 $0xFFFFEC00  }
0x199: {  	[spmem:s14] =	stream.linear.scatter [tilespmem:s22], [sflag:$0x5], $0x1400, $0x38;
	[tilespmem:$0x1EC00] =	vst v63  }
0x19a: {  	_ =	swait.ge [sflag:s17], $0x1400  }
0x19b: {  	[sflag:s17] =	ssyncset.done $0x0  }
0x19c: {  	s15 =	simm.s32 $0x0;
	[sflag:s17] =	ssyncadd.s32 $0xFFFFEC00  }
0x19d: {  	v1 =	vld [tilespmem:s15+$0x5C00]  }
0x19e: {  	v2 =	vld [tilespmem:s15+$0x5C10]  }
0x19f: {  	v3 =	vld [tilespmem:s15+$0xAC10]  }
0x1a0: {  	s9 =	simm.s32 $0xE800;
	v4 =	vld [tilespmem:s15+$0xAC00]  }
0x1a1: {  	v5 =	vld [tilespmem:s9+$0x0];
	_ =	sdelay $0x1  }
0x1a2: {  	v63 =	vld [tilespmem:s15+$0x12410]  }
0x1a3: {  	v2 =	vadd.f32 v3, v2;
	v3 =	vld [tilespmem:s15+$0x12400]  }
0x1a4: {  	v1 =	vadd.f32 v4, v1  }
0x1a5: {  	v2 =	vmul.f32 v2, v5  }
0x1a6: {  	v4 =	vmul.f32 v1, v5  }
0x1a7: {  	s7 =	simm.s32 $0x20;
	v5 =	vadd.f32 v2, v63  }
0x1a8: {  	v1 =	vld [tilespmem:s7+$0x5C00];
	v4 =	vadd.f32 v4, v3  }
0x1a9: {  	v2 =	vld [tilespmem:s7+$0x5C10];
	[tilespmem:s15+$0xAC10] =	vst v5  }
0x1aa: {  	s11 =	simm.s32 $0x100;
	v3 =	vld [tilespmem:s7+$0xAC10];
	[tilespmem:s15+$0xAC00] =	vst v4  }
.LBB2_11:
0x1ab: {  	p0 =	sne.s32 s11, $0x9F80;
	v4 =	vld [tilespmem:s7+$0xAC00];
	s9 =	sadd.s32 $0x10, s9  }
0x1ac: {  	v5 =	vld [tilespmem:s9+$0x0];
	_ =	sdelay $0x1  }
0x1ad: {  	v6 =	vld [tilespmem:s7+$0x12410]  }
0x1ae: {  	v7 =	vld [tilespmem:s7+$0x12400];
	v2 =	vadd.f32 v3, v2  }
0x1af: {  	v1 =	vadd.f32 v4, v1  }
0x1b0: {  	v2 =	vmul.f32 v2, v5  }
.Ltmp4:
0x1b1: {  	v3 =	vmul.f32 v1, v5;
	(pc) =	sbr.rel @p0 .LBB2_11-.Ltmp4, $4  }
0x1b2: {  	s8 =	sshra.s32 s11, $0x2;
	v4 =	vadd.f32 v2, v6  }
0x1b3: {  	v1 =	vld [tilespmem:s8+$0x5C00];
	v5 =	vadd.f32 v3, v7  }
0x1b4: {  	v2 =	vld [tilespmem:s8+$0x5C10];
	[tilespmem:s7+$0xAC10] =	vst v4  }
0x1b5: {  	s11 =	sadd.s32 $0x80, s11;
	v3 =	vld [tilespmem:s8+$0xAC10];
	[tilespmem:s7+$0xAC00] =	vst v5;
	s7 =	smov.u32 s8  }
0x1b6: {  	v4 =	vld [tilespmem:s7+$0xAC00];
	s8 =	sadd.s32 $0x10, s9  }
0x1b7: {  	v5 =	vld [tilespmem:s8+$0x0];
	_ =	sdelay $0x1  }
0x1b8: {  	v6 =	vld [tilespmem:s7+$0x12410]  }
0x1b9: {  	v7 =	vld [tilespmem:s7+$0x12400];
	v2 =	vadd.f32 v3, v2  }
0x1ba: {  	v1 =	vadd.f32 v4, v1  }
0x1bb: {  	v2 =	vmul.f32 v2, v5  }
0x1bc: {  	v1 =	vmul.f32 v1, v5  }
0x1bd: {  	v2 =	vadd.f32 v2, v6  }
0x1be: {  	v1 =	vadd.f32 v1, v7  }
0x1bf: {  	s21 =	sadd.s32 $0x1, s21;
	[tilespmem:s7+$0xAC10] =	vst v2  }
0x1c0: {  	s14 =	rddreg [dreg:$0xe];
	s15 =	simm.s32 $0x8400;
	p0 =	sne.s32 s21, $0xA;
	[tilespmem:s7+$0xAC00] =	vst v1  }
0x1c1: {  	[spmem:s14] =	stream.linear.scatter [tilespmem:s15], [sflag:$0x5], $0x5000, $0x38;
	[tilespmem:$0x1EC00] =	vst v63  }
.Ltmp5:
0x1c2: {  	_ =	swait.ge [sflag:s17], $0x5000;
	(pc) =	sbr.rel @p0 .LBB2_6-.Ltmp5, $3  }
0x1c3: {  	[sflag:s17] =	ssyncset.done $0x0  }
0x1c4: {  	[sflag:s17] =	ssyncadd.s32 $0xFFFFB000  }
0x1c5: {  	[bflag:$0x0] =	sbarrier.arrive $0xFFFF;
	_ =	sdelay $0x1  }
0x1c6: {  	s7 =	rddreg [dreg:$0x12];
	s8 =	simm.s32 $0x8400  }
0x1c7: {  	[hbm4b:s7+s4] =	stream.linear.scatter [tilespmem:s8], [sflag:$0x5], $0x5000, $0x38;
	[tilespmem:$0x1EC00] =	vst v63  }
0x1c8: {  	_ =	swait.ge [sflag:s17], $0x5000  }
0x1c9: {  	s15 =	rddreg [dreg:$0x14]  }
0x1ca: {  	s21 =	rddreg [dreg:$0x13];
	s8 =	sadd.s32 $0x1, s15  }
0x1cb: {  	p0 =	sne.s32 s8, s21  }
.Ltmp6:
0x1cc: {  	_ = 	snop;
	(pc) =	sbr.rel @p0 .LBB2_1-.Ltmp6, $3  }
0x1cd: {  	_ =	sdelay $0x1  }
0x1ce: {  	[sflag:s17] =	ssyncset.done $0x0  }
0x1cf: {  	[sflag:s17] =	ssyncadd.s32 $0xFFFFB000  }
0x1d0: {  	_ =	sfence.sel $0x180000  }
0x1d1: {  	[bflag:$0x0] =	sbarrier.arrive $0xFFFF  }
0x1d2: {  	_ =	strace $0x9000004A  }
0x1d3: {  	s0 =	stileid.u32;
	[bflag:$0x2] =	sbarrier.arrive $0xFFFF  }
0x1d4: {  	p0 =	sne.s32 s0, $0x0;
	s0 =	rddreg [dreg:$0x4]  }
0x1d5: {  	s0 =	sadd.s32 @!p0 $0x100000, s0  }
0x1d6: {  	[sflag:s0] =	ssyncadd.tile.s32 @!p0 $0x1;
	_ =	shalt  }
.Lfunc_end2:
_tile_overlayer_lowered:
.L_overlay_start_2:
0x1d7: {  	(tag) =	ssettag $0x2  }
0x1d8: {  	s0 =	rddreg [dreg:$0x0];
	s2 =	stileid.u32  }
0x1d9: {  	s1 =	rddreg [dreg:$0x1];
	p0 =	sne.s32 s2, $0x0  }
0x1da: {  	s3 =	rddreg [dreg:$0x2];
	[bflag:$0x3] =	sbarrier.arrive $0xFFFF;
	s2 =	simm.s32 @!p0 $0x1C05  }
0x1db: {  	[timem:s3], [sflag:s2] =	dma.local @!p0 [hbm:s0], s1  }
0x1dc: {  	s0 =	simm.s32 @!p0 $0x5  }
0x1dd: {  	_ =	swait.ge @!p0 [sflag:s0], s1  }
0x1de: {  	s1 =	ssub.s32 @!p0 $0x0, s1;
	[sflag:s0] =	ssyncset.done @!p0 $0x0  }
0x1df: {  	[sflag:s0] =	ssyncadd.s32 @!p0 s1  }
0x1e0: {  	[bflag:$0x3] =	sbarrier.arrive $0xFFFF  }
0x1e1: {  	_ =	shalt  }

// kernel: kernel.8.cloned.1.call-start
scs
__scs_entry_jumppad:
0x0: {  	(pc) =	sbr.rel $0x88, $3  }
0x1: {  	(tag) =	ssettag $0x0;
	lr =	simm.s32 $0x1  }
0x2: {  	[smem:$0x3F9D] =	sst lr;
	_ =	strace $0xD0000000  }
0x3: {  	_ = 	snop  }
0x4: {  	_ = 	snop  }
0x5: {  	_ = 	snop  }
0x6: {  	_ = 	snop  }
0x7: {  	_ = 	snop  }
__scs_overlays_trampoline_lowered:
0x8: {  	[smem:$0x3FAC] =	sst s0  }
0x9: {  	[smem:$0x3FAD] =	sst s1  }
0xa: {  	[smem:$0x3FAE] =	sst s2  }
0xb: {  	[smem:$0x3FAF] =	sst s3  }
0xc: {  	[smem:$0x3FB0] =	sst s4  }
0xd: {  	[smem:$0x3FB1] =	sst s5  }
0xe: {  	[smem:$0x3FB2] =	sst s6  }
0xf: {  	[smem:$0x3FB3] =	sst s7  }
0x10: {  	[smem:$0x3FB4] =	sst s8  }
0x11: {  	[smem:$0x3FB5] =	sst s9;
	s0 =	simm.s32 @!p0 $0x0  }
0x12: {  	s1 =	sld [smem:$0x3F9B];
	s0 =	simm.s32 @p0 $0x1  }
0x13: {  	[smem:$0x3FB6] =	sst s0;
	s0 =	simm.s32 @!p1 $0x0  }
0x14: {  	s2 =	sld [smem:$0x3F9A];
	s0 =	simm.s32 @p1 $0x1  }
0x15: {  	[smem:$0x3FB7] =	sst s0;
	s0 =	simm.s32 @!p2 $0x0  }
0x16: {  	s3 =	sld [smem:$0x3FDB];
	s0 =	simm.s32 @p2 $0x1  }
0x17: {  	s4 =	simm.s32 $0x1BF5;
	[smem:$0x3FB9] =	sst s0  }
0x18: {  	s0 =	sld [smem:$0x3F9C];
	_ =	swait.ge [sflag:s4], $0x0  }
0x19: {  	s7 =	sld [smem:$0x3F9D]  }
0x1a: {  	s8 =	sadd.s32 $0xFFFFE003, lr  }
0x1b: {  	s9 =	sadd.s32 $0xFFFFFEF7, lr;
	s5 =	simm.s32 $0xFFFFFFFF;
	p2 =	slt.u32 s8, $0xFFFFF086  }
0x1c: {  	p1 =	slt.u32 s9, $0xF7A;
	s5 =	simm.s32 @!p2 $0x0  }
0x1d: {  	s5 =	simm.s32 @p1 $0x1;
	p0 =	seq.s32 s7, s2  }
0x1e: {  	s7 =	smul.u32 @!p0 $0xF7A, s2;
	p2 =	seq.s32 @!p0 s5, $0x0  }
0x1f: {  	s9 =	smul.u32 $0xF7A, s1;
	s8 =	simm.s32 @!p0 $0x1BF5;
	p2 =	por !p2, p0  }
0x20: {  	[sflag:s8] =	ssyncset.s32 @!p0 $0xFFFFF086;
	s6 =	sadd.s32 @!p0 s3, s7;
	s7 =	simm.s32 @!p0 $0x108  }
0x21: {  	s3 =	sadd.s32 s3, s9;
	s6 =	sadd.s32 @!p0 $0x88, s6;
	s7 =	simm.s32 @p2 $0x1082  }
0x22: {  	[simem:s7], [sflag:s8] =	dma.local @!p0 [hbm:s6], $0xF7A  }
0x23: {  	s9 =	sor.u32 $0xD0000000, s2;
	s6 =	simm.s32 $0x108;
	_ =	swait.ge @!p0 [sflag:s8], $0x0  }
0x24: {  	s3 =	sadd.s32 $0x88, s3;
	s6 =	simm.s32 @!p1 $0x1082;
	[sflag:s4] =	ssyncset.s32 $0xFFFFF086  }
0x25: {  	[simem:s6], [sflag:s4] =	dma.local [hbm:s3], $0xF7A  }
0x26: {  	[smem:$0x3F9D] =	sst s1;
	(tag) =	ssettag s2;
	_ =	strace s9  }
0x27: {  	s1 =	sld [smem:$0x3FAD]  }
0x28: {  	s2 =	sld [smem:$0x3FAE]  }
0x29: {  	s4 =	sld [smem:$0x3FB0]  }
0x2a: {  	p0 =	seq.s32 s5, $0x0;
	s5 =	sld [smem:$0x3FB1]  }
0x2b: {  	s6 =	sld [smem:$0x3FB2]  }
0x2c: {  	s7 =	sld [smem:$0x3FB3]  }
0x2d: {  	s3 =	simm.s32 $0x108;
	s8 =	sld [smem:$0x3FB4]  }
0x2e: {  	s3 =	simm.s32 @!p0 $0x1082;
	s9 =	sld [smem:$0x3FB5]  }
0x2f: {  	lr =	sadd.s32 s0, s3;
	s0 =	sld [smem:$0x3FAC]  }
0x30: {  	s3 =	sld [smem:$0x3FAF]  }
0x31: {  	[smem:$0x3FB8] =	sst s10  }
0x32: {  	s10 =	sld [smem:$0x3FB6];
	_ =	sdelay $0x3  }
0x33: {  	p0 =	seq.s32 s10, $0x1;
	s10 =	sld [smem:$0x3FB8];
	_ =	sdelay $0x3  }
0x34: {  	[smem:$0x3FB8] =	sst s10  }
0x35: {  	s10 =	sld [smem:$0x3FB7];
	_ =	sdelay $0x3  }
0x36: {  	p1 =	seq.s32 s10, $0x1;
	s10 =	sld [smem:$0x3FB8];
	_ =	sdelay $0x3  }
0x37: {  	[smem:$0x3FB8] =	sst s10  }
0x38: {  	s10 =	sld [smem:$0x3FB9]  }
0x39: {  	_ = 	snop;
	(pc) =	sbr.ind lr, $3  }
0x3a: {  	_ = 	snop  }
0x3b: {  	_ = 	snop  }
0x3c: {  	p2 =	seq.s32 s10, $0x1;
	s10 =	sld [smem:$0x3FB8]  }
0x3d: {  	_ =	shalt  }
0x3e: {  	_ =	shalt  }
0x3f: {  	_ =	shalt  }
0x40: {  	_ =	shalt  }
0x41: {  	_ =	shalt  }
0x42: {  	_ =	shalt  }
0x43: {  	_ =	shalt  }
0x44: {  	_ =	shalt  }
0x45: {  	_ =	shalt  }
0x46: {  	_ =	shalt  }
0x47: {  	_ =	shalt  }
0x48: {  	_ =	shalt  }
0x49: {  	_ =	shalt  }
0x4a: {  	_ =	shalt  }
0x4b: {  	_ =	shalt  }
0x4c: {  	_ =	shalt  }
0x4d: {  	_ =	shalt  }
0x4e: {  	_ =	shalt  }
0x4f: {  	_ =	shalt  }
0x50: {  	_ =	shalt  }
0x51: {  	_ =	shalt  }
0x52: {  	_ =	shalt  }
0x53: {  	_ =	shalt  }
0x54: {  	_ =	shalt  }
0x55: {  	_ =	shalt  }
0x56: {  	_ =	shalt  }
0x57: {  	_ =	shalt  }
0x58: {  	_ =	shalt  }
0x59: {  	_ =	shalt  }
0x5a: {  	_ =	shalt  }
0x5b: {  	_ =	shalt  }
0x5c: {  	_ =	shalt  }
0x5d: {  	_ =	shalt  }
0x5e: {  	_ =	shalt  }
0x5f: {  	_ =	shalt  }
0x60: {  	_ =	shalt  }
0x61: {  	_ =	shalt  }
0x62: {  	_ =	shalt  }
0x63: {  	_ =	shalt  }
0x64: {  	_ =	shalt  }
0x65: {  	_ =	shalt  }
0x66: {  	_ =	shalt  }
0x67: {  	_ =	shalt  }
0x68: {  	_ =	shalt  }
0x69: {  	_ =	shalt  }
0x6a: {  	_ =	shalt  }
0x6b: {  	_ =	shalt  }
0x6c: {  	_ =	shalt  }
0x6d: {  	_ =	shalt  }
0x6e: {  	_ =	shalt  }
0x6f: {  	_ =	shalt  }
0x70: {  	_ =	shalt  }
0x71: {  	_ =	shalt  }
0x72: {  	_ =	shalt  }
0x73: {  	_ =	shalt  }
0x74: {  	_ =	shalt  }
0x75: {  	_ =	shalt  }
0x76: {  	_ =	shalt  }
0x77: {  	_ =	shalt  }
0x78: {  	_ =	shalt  }
0x79: {  	_ =	shalt  }
0x7a: {  	_ =	shalt  }
0x7b: {  	_ =	shalt  }
0x7c: {  	_ =	shalt  }
0x7d: {  	_ =	shalt  }
0x7e: {  	_ =	shalt  }
0x7f: {  	_ =	shalt  }
0x80: {  	_ =	shalt  }
0x81: {  	_ =	shalt  }
0x82: {  	_ =	shalt  }
0x83: {  	_ =	shalt  }
0x84: {  	_ =	shalt  }
0x85: {  	_ =	shalt  }
0x86: {  	_ =	shalt  }
0x87: {  	_ =	shalt  }
.Lfunc_end0:
.L_simem_size_0:
called_computation_lowered:
.L_overlay_start_0:
0x88: {  	s2 =	sld [smem:$0x3FD9]  }
0x89: {  	s3 =	sld [smem:$0x3FFE];
	_ =	sdelay $0x1  }
0x8a: {  	s1 =	srdreg.scid  }
0x8b: {  	s0 =	sand.u32 $0x1, s1  }
0x8c: {  	s16 =	sshll.u32 s0, $0xA;
	s2 =	sadd.s32 s3, s2  }
0x8d: {  	s2 =	sadd.s32 s2, s16  }
0x8e: {  	[smem:$0x3FC4] =	sst s2  }
0x8f: {  	_ = 	snop  }
0x90: {  	(tm) =	ssettm $0x1  }
0x91: {  	s17 =	sld [smem:$0x3FFB];
	_ =	sdelay $0x3  }
0x92: {  	_ =	strace s17  }
0x93: {  	s2 =	sld [smem:$0x3FFC];
	_ =	sdelay $0x3  }
0x94: {  	_ =	strace s2  }
0x95: {  	s2 =	sld [smem:$0x3FFD];
	_ =	sdelay $0x3  }
0x96: {  	_ =	strace s2  }
0x97: {  	_ =	strace $0x8FFFFFFF  }
0x98: {  	s18 =	sld [smem:$0x3FDB];
	_ =	sdelay $0x1  }
0x99: {  	s19 =	simm.s32 $_scs_section_size  }
0x9a: {  	s4 =	simm.s32 $_size__tile_overlayer_lowered;
	s5 =	simm.s32 $_tile_overlayer_lowered  }
0x9b: {  	s22 =	simm.s32 $0x1BFF;
	s21 =	sshll.u32 s5, $0x1;
	s2 =	sadd.s32 s19, s18  }
0x9c: {  	s6 =	simm.s32 $0x0;
	s20 =	sshll.u32 s4, $0x1;
	s4 =	sadd.s32 s21, s2  }
0x9d: {  	[timem:s6], [sflag:s22] =	dma.local [hbm:s4], s20  }
0x9e: {  	_ =	swait.ge [sflag:s22], s20  }
0x9f: {  	s3 =	ssub.s32 $0x0, s20;
	[sflag:s22] =	ssyncset.done $0x0  }
0xa0: {  	[sflag:s22] =	ssyncadd.s32 s3;
	_ =	sdelay $0x1  }
0xa1: {  	s23 =	simm.s32 $0x1B8B  }
0xa2: {  	_ =	swait.ge [sflag:s23], $0x1  }
0xa3: {  	[sflag:s23] =	ssyncset.done $0x0  }
0xa4: {  	s25 =	simm.s32 $0x1B8E;
	s24 =	sld [smem:$0x3FFE];
	[sflag:s23] =	ssyncadd.s32 $0xFFFFFFFF  }
0xa5: {  	s26 =	simm.s32 $execute0_lowered;
	[smem:$0x3FD2] =	sst s25  }
0xa6: {  	s4 =	sshll.u32 s26, $0x1;
	_ =	strace $0x80000046;
	[dreg:$0x1] =	wrdreg $0xFFFFFFFF  }
0xa7: {  	s28 =	simm.s32 $_size_execute0_lowered;
	s2 =	sadd.s32 s2, s4;
	[dreg:$0x0] =	wrdreg $0x0  }
0xa8: {  	s4 =	sshll.u32 s28, $0x1;
	[dreg:$0x2] =	wrdreg s2  }
0xa9: {  	[dreg:$0x3] =	wrdreg s4  }
0xaa: {  	[dreg:$0x4] =	wrdreg $0xC0  }
0xab: {  	_ =	task [dreg:s6], $0x5FFFF  }
0xac: {  	[dreg:$0x1] =	wrdreg $0xFFFFFFFF  }
0xad: {  	[dreg:$0x0] =	wrdreg $0x60  }
0xae: {  	[dreg:$0x2] =	wrdreg s24  }
0xaf: {  	[dreg:$0x3] =	wrdreg $0x28800  }
0xb0: {  	[dreg:$0x4] =	wrdreg $0x9  }
0xb1: {  	_ =	task.clear_ibuf [dreg:s6], $0x5FFFF;
	_ =	strace $0x90000046  }
0xb2: {  	s29 =	simm.s32 $0x9;
	_ =	strace $0x80000048  }
0xb3: {  	_ =	swait.ge [sflag:s29], $0x1  }
0xb4: {  	[sflag:s29] =	ssyncadd.s32 $0xFFFFFFFF  }
0xb5: {  	_ =	strace $0x90000048  }
0xb6: {  	_ =	sfence  }
0xb7: {  	s30 =	sld [smem:$0x0];
	_ =	sdelay $0x2  }
0xb8: {  	s31 =	sshll.u32 s1, $0xD;
	s1 =	sshrl.u32 s1, $0x2  }
0xb9: {  	s3 =	sand.u32 $0x4000, s31;
	s1 =	sadd.s32 s1, s30  }
0xba: {  	s0 =	sor.u32 s3, s0;
	s1 =	sshll.u32 s1, $0x11  }
0xbb: {  	s0 =	sor.u32 s1, s0  }
0xbc: {  	s0 =	sadd.s32 $0x8F2B, s0  }
0xbd: {  	[sflag:s0] =	ssyncadd.remote.s32 $0x1  }
0xbe: {  	_ =	sfence.sel $0xFFFF  }
0xbf: {  	[dreg:$0x0] =	wrdreg $0xFFFFFFFF;
	(pc) =	sbr.abs _section_cstart, $3  }
0xc0: {  	[dreg:$0x1] =	wrdreg $0xFFFFFFFF  }
0xc1: {  	_ =	task.clear_ibuf [dreg:s6], $0x2FFFF;
	_ =	strace $0x9FFFFFFF  }
0xc2: {  	(tm) =	ssettm $0x7FFFFFFF  }
0xc3: {  	_ =	shalt  }
tec
execute0_lowered:
.L_overlay_start_1:
0x0: {  	(tag) =	ssettag $0x1  }
0x1: {  	s6 =	rddreg [dreg:$0x0]  }
0x2: {  	s0 =	srdreg.scid;
	s2 =	rddreg [dreg:$0x1]  }
0x3: {  	s3 =	simm.s32 $0x0;
	s13 =	simm.s32 $0x80;
	s14 =	simm.s32 $0x20  }
0x4: {  	s15 =	simm.s32 $0x10;
	s5 =	sand.u32 $0x1, s0;
	s0 =	stileid.u32  }
0x5: {  	s16 =	simm.s32 $0x0;
	[smem:$0x7FF] =	sst s3;
	s7 =	smul.u32 $0x500, s0  }
0x6: {  	s1 =	sshll.u32 s5, $0x4;
	s8 =	smul.u32 $0x280, s0;
	s9 =	sshll.u32 s5, $0x7  }
0x7: {  	s5 =	ssub.s32 $0x2, s5;
	s31 =	sshll.u32 s0, $0x6;
	s4 =	sor.u32 s0, s1  }
0x8: {  	s1 =	rddreg [dreg:$0x2];
	_ =	strace $0x80000047;
	s30 =	sshrl.u32 s5, $0x1  }
0x9: {  	s4 =	smul.u32 $0x500, s4;
	s7 =	sor.u32 s9, s7;
	s29 =	sshrl.u32 s8, $0x3  }
0xa: {  	s11 =	ssub.s32 s5, s30;
	s12 =	sadd.s32 s8, s2;
	s7 =	sshrl.u32 s7, $0x3  }
0xb: {  	s9 =	sadd.s32 s29, s6;
	s8 =	smax.u32 s11, $0x1;
	s11 =	sor.u32 $0x1C01, s31  }
0xc: {  	s12 =	sshrl.u32 s12, $0x3;
	s10 =	sadd.s32 s4, s6;
	s4 =	sadd.s32 $0xBA00, s6  }
0xd: {  	s7 =	sadd.s32 s7, s6;
	s6 =	sadd.s32 $0xB400, s9;
	s9 =	simm.s32 $0x1  }
0xe: {  	s5 =	sadd.s32 $0x1400, s10;
	s7 =	sadd.s32 $0xBC00, s7;
	s10 =	simm.s32 $0x2800  }
.LBB2_1:
0xf: {  	[tilespmem:s3], [sflag:$0x1] =	stream.linear.gather [hbm4b:s5+s3], $0x2800, $0x38;
	[tilespmem:$0x2B00] =	vst v63  }
0x10: {  	_ =	swait.ge [sflag:s9], $0x2800  }
0x11: {  	[sflag:s9] =	ssyncset.done $0x0  }
0x12: {  	[sflag:s9] =	ssyncadd.s32 $0xFFFFD800  }
0x13: {  	[tilespmem:s10], [sflag:$0x1] =	stream.linear.gather [hbm4b:s4+s3], $0x80, $0x38;
	[tilespmem:$0x2B00] =	vst v63  }
0x14: {  	_ =	swait.ge [sflag:s9], $0x80  }
0x15: {  	[sflag:s9] =	ssyncset.done $0x0  }
0x16: {  	[sflag:s9] =	ssyncadd.s32 $0xFFFFFF80  }
0x17: {  	[spmem:s12], [sflag:s11] =	dma.local [hbm:s6], $0x50  }
0x18: {  	_ =	swait.ge [sflag:s9], $0x50  }
0x19: {  	[sflag:s9] =	ssyncset.done $0x0  }
0x1a: {  	[sflag:s9] =	ssyncadd.s32 $0xFFFFFFB0  }
0x1b: {  	s17 =	simm.s32 $0x0;
	[bflag:$0x0] =	sbarrier.arrive $0xFFFF  }
0x1c: {  	[spmem:s2] =	stream.indirect.scatter.add.f32 [tilespmem:s10], [sflag:$0x1], $0x1, s17, s13, $0xb8;
	[tilespmem:$0x2B00] =	vst v63  }
0x1d: {  	_ =	swait.ge [sflag:s9], $0x80  }
0x1e: {  	s17 =	simm.s32 $0x200;
	[sflag:s9] =	ssyncset.done $0x0  }
.LBB2_2:
0x1f: {  	s18 =	sshra.s32 s17, $0x2;
	[sflag:s9] =	ssyncadd.s32 $0xFFFFFF80;
	p0 =	sne.s32 s17, $0x9E00  }
0x20: {  	[spmem:s2] =	stream.indirect.scatter.add.f32 [tilespmem:s10], [sflag:$0x1], $0x1, s18, s13, $0xb8;
	[tilespmem:$0x2B00] =	vst v63  }
.Ltmp0:
0x21: {  	_ = 	snop;
	(pc) =	sbr.rel @p0 .LBB2_2-.Ltmp0, $4  }
0x22: {  	_ = 	snop  }
0x23: {  	s17 =	sadd.s32 $0x200, s17  }
0x24: {  	_ =	swait.ge [sflag:s9], $0x80  }
0x25: {  	[sflag:s9] =	ssyncset.done $0x0  }
0x26: {  	s16 =	sadd.s32 $0x1, s16  }
0x27: {  	[sflag:s9] =	ssyncadd.s32 $0xFFFFFF80;
	p0 =	sne.s32 s16, s8  }
.Ltmp1:
0x28: {  	[bflag:$0x0] =	sbarrier.arrive $0xFFFF;
	(pc) =	sbr.rel @p0 .LBB2_1-.Ltmp1, $4  }
0x29: {  	[hbm:s7@s14], [sflag:s11] =	dma.strided [spmem:s12@s15], $0x50, s9, $0x10   }
0x2a: {  	_ =	swait.ge [sflag:s9], $0x50  }
0x2b: {  	[sflag:s9] =	ssyncset.done $0x0  }
0x2c: {  	[sflag:s9] =	ssyncadd.s32 $0xFFFFFFB0  }
0x2d: {  	_ =	sfence.sel $0x180000  }
0x2e: {  	[bflag:$0x0] =	sbarrier.arrive $0xFFFF  }
0x2f: {  	p0 =	sne.s32 s0, $0x0;
	_ =	strace $0x90000047  }
0x30: {  	s0 =	sadd.s32 @!p0 $0x100000, s1;
	[bflag:$0x2] =	sbarrier.arrive $0xFFFF  }
0x31: {  	[sflag:s0] =	ssyncadd.tile.s32 @!p0 $0x1;
	_ =	shalt  }
.Lfunc_end2:
_tile_overlayer_lowered:
.L_overlay_start_2:
0x32: {  	(tag) =	ssettag $0x2  }
0x33: {  	s0 =	rddreg [dreg:$0x0];
	s2 =	stileid.u32  }
0x34: {  	s1 =	rddreg [dreg:$0x1];
	p0 =	sne.s32 s2, $0x0  }
0x35: {  	s3 =	rddreg [dreg:$0x2];
	[bflag:$0x3] =	sbarrier.arrive $0xFFFF;
	s2 =	simm.s32 @!p0 $0x1C01  }
0x36: {  	[timem:s3], [sflag:s2] =	dma.local @!p0 [hbm:s0], s1  }
0x37: {  	s0 =	simm.s32 @!p0 $0x1  }
0x38: {  	_ =	swait.ge @!p0 [sflag:s0], s1  }
0x39: {  	s1 =	ssub.s32 @!p0 $0x0, s1;
	[sflag:s0] =	ssyncset.done @!p0 $0x0  }
0x3a: {  	[sflag:s0] =	ssyncadd.s32 @!p0 s1  }
0x3b: {  	[bflag:$0x3] =	sbarrier.arrive $0xFFFF  }
0x3c: {  	_ =	shalt  }

</sc_bundles>
